<compile_context>
chip_gen: v7x
topology: tpu7x:2x2x1
jax: 0.10.2.dev20260603
libtpu: 0.0.44.dev20260713+nightly
codegen_flags: <defaults>
</compile_context>

<pallas_src>
import dataclasses
import functools

import jax
import jax.numpy as jnp
from jax import lax
from jax.experimental import pallas as pl
from jax.experimental.pallas import tpu as pltpu
from jax.experimental.pallas import tpu_sc as plsc

NC = 2
NS = 16
NW = NC * NS
L = 16

N_STRUCT = 512


def _sc_partials(e, z, b, s1, s2, chunk):
    mesh = plsc.VectorSubcoreMesh(core_axis_name="c", subcore_axis_name="s")
    tbl = s1.shape[0]
    n = e.shape[0]
    cp = pltpu.CompilerParams()
    if "needs_layout_passes" in pltpu.CompilerParams.__dataclass_fields__:
        cp = dataclasses.replace(cp, needs_layout_passes=False)

    @functools.partial(
        pl.kernel,
        out_type=jax.ShapeDtypeStruct((NW, N_STRUCT), jnp.float32),
        mesh=mesh,
        compiler_params=cp,
        scratch_types=[
            pltpu.VMEM((chunk,), jnp.float32),
            pltpu.VMEM((chunk,), jnp.int32),
            pltpu.VMEM((chunk,), jnp.int32),
            pltpu.VMEM((tbl,), jnp.float32),
            pltpu.VMEM((tbl,), jnp.float32),
            pltpu.VMEM((tbl * L,), jnp.float32),
            pltpu.VMEM((L * (N_STRUCT + 1),), jnp.float32),
            pltpu.VMEM((N_STRUCT,), jnp.float32),
            pltpu.SemaphoreType.DMA,
            pltpu.SemaphoreType.DMA,
            pltpu.SemaphoreType.DMA,
            pltpu.SemaphoreType.DMA,
            pltpu.SemaphoreType.DMA,
        ],
    )
    def k(e_hbm, z_hbm, b_hbm, s1_hbm, s2_hbm, out_hbm,
          e_v, z_v, b_v, s1_v, s2_v, rep_v, acc_v, red_v,
          sem_e, sem_z, sem_b, sem_s1, sem_s2):
        wid = lax.axis_index("c") * NS + lax.axis_index("s")
        nominal = wid * chunk
        base = jnp.minimum(nominal, n - chunk)
        start = jnp.minimum(nominal - base, chunk)
        cp_e = pltpu.async_copy(e_hbm.at[pl.ds(base, chunk)], e_v, sem_e)
        cp_z = pltpu.async_copy(z_hbm.at[pl.ds(base, chunk)], z_v, sem_z)
        cp_b = pltpu.async_copy(b_hbm.at[pl.ds(base, chunk)], b_v, sem_b)
        cp_s1 = pltpu.async_copy(s1_hbm, s1_v, sem_s1)
        cp_s2 = pltpu.async_copy(s2_hbm, s2_v, sem_s2)

        zeros = jnp.zeros((L,), jnp.float32)

        @plsc.parallel_loop(0, N_STRUCT, step=L, unroll=4)
        def _(i):
            red_v[pl.ds(i, L)] = zeros

        cp_b.wait()
        blo = jnp.min(b_v[pl.ds(start, L)])
        bhi = jnp.max(b_v[pl.ds(chunk - L, L)])
        clo = (blo // L) * L
        chi = (bhi // L) * L + L

        stride = N_STRUCT + 1
        iota = lax.iota(jnp.int32, L)
        lane_base = iota * stride

        @plsc.parallel_loop(clo, chi, step=L)
        def _(c):
            for r in range(L):
                plsc.store_scatter(acc_v, [r * stride + c + iota], zeros)

        cp_s1.wait()
        cp_s2.wait()

        @pl.loop(0, tbl, step=L)
        def _(i):
            zi = jnp.minimum(i + iota, tbl - 1)
            s12 = plsc.load_gather(s1_v, [zi]) * plsc.load_gather(s2_v, [zi])
            for l in range(L):
                plsc.store_scatter(rep_v, [zi * L + l], s12)

        cp_e.wait()
        cp_z.wait()

        def atoms(i):
            zz = z_v[pl.ds(i, L)]
            ee = e_v[pl.ds(i, L)]
            ss = plsc.load_gather(rep_v, [zz * L + iota])
            bb = b_v[pl.ds(i, L)]
            plsc.addupdate_scatter(acc_v, [lane_base + bb], ee * ss)

        head = start + (chunk - start) % (4 * L)

        @pl.loop(start, head, step=L)
        def _(i):
            atoms(i)

        @plsc.parallel_loop(head, chunk, step=L, unroll=4)
        def _(i):
            atoms(i)

        @plsc.parallel_loop(clo, chi, step=L)
        def _(c):
            t = [plsc.load_gather(acc_v, [r * stride + c + iota])
                 for r in range(L)]
            while len(t) > 1:
                t = [a + b for a, b in zip(t[::2], t[1::2])]
            red_v[pl.ds(c, L)] = t[0]

        pltpu.sync_copy(red_v, out_hbm.at[wid])

    return k(e, z, b, s1, s2)


def _tc_reduce(partials):
    def body(x_ref, o_ref):
        o_ref[...] = jnp.sum(x_ref[...], axis=0)

    return pl.pallas_call(
        body,
        out_shape=jax.ShapeDtypeStruct((N_STRUCT,), jnp.float32),
    )(partials)


def kernel(local_energies, scales1, scales2, Z, batch):
    e = local_energies
    z = Z.astype(jnp.int32)
    b = batch.astype(jnp.int32)
    n = e.shape[0]
    if n % L:
        pad = L - n % L
        e = jnp.concatenate([e, jnp.zeros((pad,), jnp.float32)])
        z = jnp.concatenate([z, jnp.zeros((pad,), jnp.int32)])
        b = jnp.concatenate([b, jnp.zeros((pad,), jnp.int32)])
        n += pad
    chunk = -(-n // (NW * L)) * L
    if chunk > n:
        chunk = n
    partials = _sc_partials(e, z, b, scales1, scales2, chunk)
    return _tc_reduce(partials)

# --- scband reference (transcript-rebuilt; emitter-appended) ---
"""Pipeline reference for scband-energy-summation-36472862278245 (READ-ONLY COPY).

The authoritative reference and input builder live on the scoring server;
editing this copy changes nothing except your own understanding.
"""

import jax, jax.numpy as jnp
import numpy as np

N_ATOMS = 100000
N_STRUCTURES = 512
Z_MAX = 119


def setup_inputs(seed: int = 0) -> dict:
    key = jax.random.key(seed)
    k1, k2, k3, k4, k5 = jax.random.split(key, 5)
    local_energies = jax.random.normal(k1, (N_ATOMS,), dtype=jnp.float32)
    # atomic numbers per atom (index into per-species scale tables)
    Z = jax.random.randint(k2, (N_ATOMS,), 0, Z_MAX)
    # structure id per atom (AtomicGraphBatch.batch), sorted as in a batched graph
    batch = jnp.sort(jax.random.randint(k3, (N_ATOMS,), 0, N_STRUCTURES))
    # learned per-species scales for the Chain([PerAtomScale(), PerAtomScale()]) local transform
    scales1 = jax.random.uniform(k4, (Z_MAX,), dtype=jnp.float32) + 0.5
    scales2 = jax.random.uniform(k5, (Z_MAX,), dtype=jnp.float32) + 0.5
    return {
        "local_energies": local_energies,
        "scales1": scales1,
        "scales2": scales2,
        "Z": Z,
        "batch": batch,
    }


def reference(local_energies, scales1, scales2, Z, batch):
    # local_transform.inverse: Chain of two PerAtomScale transforms.
    # Each PerAtomScale.inverse scales every atom's local energy by the learned
    # per-species scale, gathered via the atomic number Z.
    x = local_energies * jnp.take(scales1, Z)
    x = x * jnp.take(scales2, Z)
    # sum_per_structure: scatter-add local energies into per-structure totals
    total_E = jax.ops.segment_sum(x, batch, num_segments=N_STRUCTURES)
    # total_transform is Identity (default when local_transform defaults to Chain)
    return total_E

if __name__ == "__main__":
    import jax
    _d = setup_inputs()
    print(jax.jit(kernel)(*tuple(_d.values())))

</pallas_src>

<mosaic_0001>
#map = affine_map<(d0, d1) -> (0)>
#map1 = affine_map<(d0, d1) -> (0, 0)>
module attributes {stable_mosaic.version = 14 : i64} {
  func.func @k(%arg0: i32, %arg1: i32, %arg2: memref<100000xf32, #tpu.memory_space<hbm>>, %arg3: memref<100000xi32, #tpu.memory_space<hbm>>, %arg4: memref<100000xi32, #tpu.memory_space<hbm>>, %arg5: memref<119xf32, #tpu.memory_space<hbm>>, %arg6: memref<119xf32, #tpu.memory_space<hbm>>, %arg7: memref<32x512xf32, #tpu.memory_space<hbm>>, %arg8: memref<3136xf32, #tpu.memory_space<vmem>>, %arg9: memref<3136xi32, #tpu.memory_space<vmem>>, %arg10: memref<3136xi32, #tpu.memory_space<vmem>>, %arg11: memref<119xf32, #tpu.memory_space<vmem>>, %arg12: memref<119xf32, #tpu.memory_space<vmem>>, %arg13: memref<1904xf32, #tpu.memory_space<vmem>>, %arg14: memref<8208xf32, #tpu.memory_space<vmem>>, %arg15: memref<512xf32, #tpu.memory_space<vmem>>, %arg16: memref<!tpu.dma_semaphore, #tpu.memory_space<semaphore_mem>>, %arg17: memref<!tpu.dma_semaphore, #tpu.memory_space<semaphore_mem>>, %arg18: memref<!tpu.dma_semaphore, #tpu.memory_space<semaphore_mem>>, %arg19: memref<!tpu.dma_semaphore, #tpu.memory_space<semaphore_mem>>, %arg20: memref<!tpu.dma_semaphore, #tpu.memory_space<semaphore_mem>>) attributes {dimension_semantics = [#tpu.dimension_semantics<core_parallel>, #tpu.dimension_semantics<subcore_parallel>], iteration_bounds = array<i64: 2, 16>, scalar_prefetch = 0 : i64, scratch_operands = 13 : i64, tpu.core_type = #tpu.core_type<sc_vector_subcore>, window_params = [{transform_indices = #map}, {transform_indices = #map}, {transform_indices = #map}, {transform_indices = #map}, {transform_indices = #map}, {transform_indices = #map1}]} {
    %mul3A = arith.constant 16 : i32
    %mul3A_0 = arith.muli %arg0, %mul3A : i32
    %add3A = arith.addi %mul3A_0, %arg1 : i32
    %mul3A_1 = arith.constant 3136 : i32
    %mul3A_2 = arith.muli %add3A, %mul3A_1 : i32
    %min3A = arith.constant 96864 : i32
    %min3A_3 = arith.minsi %mul3A_2, %min3A : i32
    %sub3A = arith.subi %mul3A_2, %min3A_3 : i32
    %min3A_4 = arith.constant 3136 : i32
    %min3A_5 = arith.minsi %sub3A, %min3A_4 : i32
    %dma_start3A = tpu.memref_slice %arg2[%min3A_3] : memref<100000xf32, #tpu.memory_space<hbm>> -> memref<3136xf32, #tpu.memory_space<hbm>>
    %dma_start3A_6 = tpu.memref_slice %arg2[%min3A_3] : memref<100000xf32, #tpu.memory_space<hbm>> -> memref<3136xf32, #tpu.memory_space<hbm>>
    tpu.enqueue_dma source(%dma_start3A_6 : memref<3136xf32, #tpu.memory_space<hbm>>) target(%arg8 : memref<3136xf32, #tpu.memory_space<vmem>>) target_semaphore(%arg16 : memref<!tpu.dma_semaphore, #tpu.memory_space<semaphore_mem>>)
    %dma_start3A_7 = tpu.memref_slice %arg3[%min3A_3] : memref<100000xi32, #tpu.memory_space<hbm>> -> memref<3136xi32, #tpu.memory_space<hbm>>
    %dma_start3A_8 = tpu.memref_slice %arg3[%min3A_3] : memref<100000xi32, #tpu.memory_space<hbm>> -> memref<3136xi32, #tpu.memory_space<hbm>>
    tpu.enqueue_dma source(%dma_start3A_8 : memref<3136xi32, #tpu.memory_space<hbm>>) target(%arg9 : memref<3136xi32, #tpu.memory_space<vmem>>) target_semaphore(%arg17 : memref<!tpu.dma_semaphore, #tpu.memory_space<semaphore_mem>>)
    %dma_start3A_9 = tpu.memref_slice %arg4[%min3A_3] : memref<100000xi32, #tpu.memory_space<hbm>> -> memref<3136xi32, #tpu.memory_space<hbm>>
    %dma_start3A_10 = tpu.memref_slice %arg4[%min3A_3] : memref<100000xi32, #tpu.memory_space<hbm>> -> memref<3136xi32, #tpu.memory_space<hbm>>
    tpu.enqueue_dma source(%dma_start3A_10 : memref<3136xi32, #tpu.memory_space<hbm>>) target(%arg10 : memref<3136xi32, #tpu.memory_space<vmem>>) target_semaphore(%arg18 : memref<!tpu.dma_semaphore, #tpu.memory_space<semaphore_mem>>)
    tpu.enqueue_dma source(%arg5 : memref<119xf32, #tpu.memory_space<hbm>>) target(%arg11 : memref<119xf32, #tpu.memory_space<vmem>>) target_semaphore(%arg19 : memref<!tpu.dma_semaphore, #tpu.memory_space<semaphore_mem>>)
    tpu.enqueue_dma source(%arg6 : memref<119xf32, #tpu.memory_space<hbm>>) target(%arg12 : memref<119xf32, #tpu.memory_space<vmem>>) target_semaphore(%arg20 : memref<!tpu.dma_semaphore, #tpu.memory_space<semaphore_mem>>)
    %broadcast_in_dim3A = arith.constant 0.000000e+00 : f32
    %broadcast_in_dim3A_11 = vector.broadcast %broadcast_in_dim3A : f32 to vector<16xf32>
    %parallel_loop3A = arith.constant 0 : i32
    %parallel_loop3A_12 = arith.constant 512 : i32
    %parallel_loop3A_13 = arith.constant 16 : i32
    scf.for %parallel_loop3A_127 = %parallel_loop3A to %parallel_loop3A_12 step %parallel_loop3A_13  : i32 {
      %parallel_loop3A_128 = arith.index_cast %parallel_loop3A_127 : i32 to index
      %parallel_loop3A_129 = tpu.vector_load %arg15[%parallel_loop3A_128] {strides = array<i32>} : memref<512xf32, #tpu.memory_space<vmem>>, vector<16xf32>,
      tpu.vector_store %arg15[%parallel_loop3A_128], %broadcast_in_dim3A_11 {strides = array<i32>} : memref<512xf32, #tpu.memory_space<vmem>>, vector<16xf32>,
    } {sc.loop_unroll_factor = 4 : i64, sc.parallel_access}
    %dma_wait3A = tpu.memref_slice %arg4[%min3A_3] : memref<100000xi32, #tpu.memory_space<hbm>> -> memref<3136xi32, #tpu.memory_space<hbm>>
    %dma_wait3A_14 = tpu.memref_slice %arg4[%min3A_3] : memref<100000xi32, #tpu.memory_space<hbm>> -> memref<3136xi32, #tpu.memory_space<hbm>>
    tpu.wait_dma2 semaphore(%arg18 : memref<!tpu.dma_semaphore, #tpu.memory_space<semaphore_mem>>) src(%dma_wait3A_14 : memref<3136xi32, #tpu.memory_space<hbm>>) dst(%arg10 : memref<3136xi32, #tpu.memory_space<vmem>>)
    %get3A = arith.index_cast %min3A_5 : i32 to index
    %get3A_15 = tpu.vector_load %arg10[%get3A] {strides = array<i32>} : memref<3136xi32, #tpu.memory_space<vmem>>, vector<16xi32>,
    %reduce_min3A = arith.constant true
    %reduce_min3A_16 = vector.broadcast %reduce_min3A : i1 to vector<16xi1>
    %reduce_min3A_17 = arith.constant -2147483648 : i32
    %reduce_min3A_18 = vector.broadcast %reduce_min3A_17 : i32 to vector<16xi32>
    %reduce_min3A_19 = arith.xori %get3A_15, %reduce_min3A_18 : vector<16xi32>
    %reduce_min3A_20 = tpu.scan <min>, %reduce_min3A_19 masked %reduce_min3A_16 : vector<16xi32>, vector<16xi1> -> vector<16xi32>
    %reduce_min3A_21 = arith.xori %reduce_min3A_20, %reduce_min3A_18 : vector<16xi32>
    %reduce_min3A_22 = vector.extract %reduce_min3A_21[15] : i32 from vector<16xi32>
    %get3A_23 = arith.constant 3120 : index
    %get3A_24 = tpu.vector_load %arg10[%get3A_23] {strides = array<i32>} : memref<3136xi32, #tpu.memory_space<vmem>>, vector<16xi32>,
    %reduce_max3A = arith.constant true
    %reduce_max3A_25 = vector.broadcast %reduce_max3A : i1 to vector<16xi1>
    %reduce_max3A_26 = arith.constant -2147483648 : i32
    %reduce_max3A_27 = vector.broadcast %reduce_max3A_26 : i32 to vector<16xi32>
    %reduce_max3A_28 = arith.xori %get3A_24, %reduce_max3A_27 : vector<16xi32>
    %reduce_max3A_29 = tpu.scan <max>, %reduce_max3A_28 masked %reduce_max3A_25 : vector<16xi32>, vector<16xi1> -> vector<16xi32>
    %reduce_max3A_30 = arith.xori %reduce_max3A_29, %reduce_max3A_27 : vector<16xi32>
    %reduce_max3A_31 = vector.extract %reduce_max3A_30[15] : i32 from vector<16xi32>
    %jit3A = arith.constant 16 : i32
    %div3A = arith.divsi %reduce_min3A_22, %jit3A : i32
    %sign3A = arith.constant 0 : i32
    %sign3A_32 = arith.cmpi sgt, %reduce_min3A_22, %sign3A : i32
    %sign3A_33 = arith.extui %sign3A_32 : i1 to i32
    %sign3A_34 = arith.constant 0 : i32
    %sign3A_35 = arith.cmpi slt, %reduce_min3A_22, %sign3A_34 : i32
    %sign3A_36 = arith.extui %sign3A_35 : i1 to i32
    %sign3A_37 = arith.subi %sign3A_33, %sign3A_36 : i32
    %sign3A_38 = arith.constant 0 : i32
    %sign3A_39 = arith.cmpi sgt, %jit3A, %sign3A_38 : i32
    %sign3A_40 = arith.extui %sign3A_39 : i1 to i32
    %sign3A_41 = arith.constant 0 : i32
    %sign3A_42 = arith.cmpi slt, %jit3A, %sign3A_41 : i32
    %sign3A_43 = arith.extui %sign3A_42 : i1 to i32
    %sign3A_44 = arith.subi %sign3A_40, %sign3A_43 : i32
    %ne3A = arith.cmpi ne, %sign3A_37, %sign3A_44 : i32
    %rem3A = arith.remsi %reduce_min3A_22, %jit3A : i32
    %ne3A_45 = arith.constant 0 : i32
    %ne3A_46 = arith.cmpi ne, %rem3A, %ne3A_45 : i32
    %and3A = arith.andi %ne3A, %ne3A_46 : i1
    %sub3A_47 = arith.constant 1 : i32
    %sub3A_48 = arith.subi %div3A, %sub3A_47 : i32
    %select_n3A = arith.select %and3A, %sub3A_48, %div3A : i32
    %mul3A_49 = arith.constant 16 : i32
    %mul3A_50 = arith.muli %select_n3A, %mul3A_49 : i32
    %jit3A_51 = arith.constant 16 : i32
    %div3A_52 = arith.divsi %reduce_max3A_31, %jit3A_51 : i32
    %sign3A_53 = arith.constant 0 : i32
    %sign3A_54 = arith.cmpi sgt, %reduce_max3A_31, %sign3A_53 : i32
    %sign3A_55 = arith.extui %sign3A_54 : i1 to i32
    %sign3A_56 = arith.constant 0 : i32
    %sign3A_57 = arith.cmpi slt, %reduce_max3A_31, %sign3A_56 : i32
    %sign3A_58 = arith.extui %sign3A_57 : i1 to i32
    %sign3A_59 = arith.subi %sign3A_55, %sign3A_58 : i32
    %sign3A_60 = arith.constant 0 : i32
    %sign3A_61 = arith.cmpi sgt, %jit3A_51, %sign3A_60 : i32
    %sign3A_62 = arith.extui %sign3A_61 : i1 to i32
    %sign3A_63 = arith.constant 0 : i32
    %sign3A_64 = arith.cmpi slt, %jit3A_51, %sign3A_63 : i32
    %sign3A_65 = arith.extui %sign3A_64 : i1 to i32
    %sign3A_66 = arith.subi %sign3A_62, %sign3A_65 : i32
    %ne3A_67 = arith.cmpi ne, %sign3A_59, %sign3A_66 : i32
    %rem3A_68 = arith.remsi %reduce_max3A_31, %jit3A_51 : i32
    %ne3A_69 = arith.constant 0 : i32
    %ne3A_70 = arith.cmpi ne, %rem3A_68, %ne3A_69 : i32
    %and3A_71 = arith.andi %ne3A_67, %ne3A_70 : i1
    %sub3A_72 = arith.constant 1 : i32
    %sub3A_73 = arith.subi %div3A_52, %sub3A_72 : i32
    %select_n3A_74 = arith.select %and3A_71, %sub3A_73, %div3A_52 : i32
    %mul3A_75 = arith.constant 16 : i32
    %mul3A_76 = arith.muli %select_n3A_74, %mul3A_75 : i32
    %add3A_77 = arith.constant 16 : i32
    %add3A_78 = arith.addi %mul3A_76, %add3A_77 : i32
    %iota3A = tpu.iota {dimensions = array<i32: 0>} : vector<16xi32>
    %mul3A_79 = arith.constant 513 : i32
    %mul3A_80 = vector.broadcast %mul3A_79 : i32 to vector<16xi32>
    %mul3A_81 = arith.muli %iota3A, %mul3A_80 : vector<16xi32>
    %parallel_loop3A_82 = arith.constant 16 : i32
    scf.for %parallel_loop3A_127 = %mul3A_50 to %add3A_78 step %parallel_loop3A_82  : i32 {
      %parallel_loop3A_128 = arith.constant 0 : i32
      %parallel_loop3A_129 = arith.addi %parallel_loop3A_128, %parallel_loop3A_127 : i32
      %parallel_loop3A_130 = vector.broadcast %parallel_loop3A_129 : i32 to vector<16xi32>
      %parallel_loop3A_131 = arith.addi %parallel_loop3A_130, %iota3A : vector<16xi32>
      tpu.vector_store_idx %arg14[%parallel_loop3A_131], %broadcast_in_dim3A_11 : memref<8208xf32, #tpu.memory_space<vmem>>[vector<16xi32>], vector<16xf32>,
      %parallel_loop3A_132 = arith.constant 513 : i32
      %parallel_loop3A_133 = arith.addi %parallel_loop3A_132, %parallel_loop3A_127 : i32
      %parallel_loop3A_134 = vector.broadcast %parallel_loop3A_133 : i32 to vector<16xi32>
      %parallel_loop3A_135 = arith.addi %parallel_loop3A_134, %iota3A : vector<16xi32>
      tpu.vector_store_idx %arg14[%parallel_loop3A_135], %broadcast_in_dim3A_11 : memref<8208xf32, #tpu.memory_space<vmem>>[vector<16xi32>], vector<16xf32>,
      %parallel_loop3A_136 = arith.constant 1026 : i32
      %parallel_loop3A_137 = arith.addi %parallel_loop3A_136, %parallel_loop3A_127 : i32
      %parallel_loop3A_138 = vector.broadcast %parallel_loop3A_137 : i32 to vector<16xi32>
      %parallel_loop3A_139 = arith.addi %parallel_loop3A_138, %iota3A : vector<16xi32>
      tpu.vector_store_idx %arg14[%parallel_loop3A_139], %broadcast_in_dim3A_11 : memref<8208xf32, #tpu.memory_space<vmem>>[vector<16xi32>], vector<16xf32>,
      %parallel_loop3A_140 = arith.constant 1539 : i32
      %parallel_loop3A_141 = arith.addi %parallel_loop3A_140, %parallel_loop3A_127 : i32
      %parallel_loop3A_142 = vector.broadcast %parallel_loop3A_141 : i32 to vector<16xi32>
      %parallel_loop3A_143 = arith.addi %parallel_loop3A_142, %iota3A : vector<16xi32>
      tpu.vector_store_idx %arg14[%parallel_loop3A_143], %broadcast_in_dim3A_11 : memref<8208xf32, #tpu.memory_space<vmem>>[vector<16xi32>], vector<16xf32>,
      %parallel_loop3A_144 = arith.constant 2052 : i32
      %parallel_loop3A_145 = arith.addi %parallel_loop3A_144, %parallel_loop3A_127 : i32
      %parallel_loop3A_146 = vector.broadcast %parallel_loop3A_145 : i32 to vector<16xi32>
      %parallel_loop3A_147 = arith.addi %parallel_loop3A_146, %iota3A : vector<16xi32>
      tpu.vector_store_idx %arg14[%parallel_loop3A_147], %broadcast_in_dim3A_11 : memref<8208xf32, #tpu.memory_space<vmem>>[vector<16xi32>], vector<16xf32>,
      %parallel_loop3A_148 = arith.constant 2565 : i32
      %parallel_loop3A_149 = arith.addi %parallel_loop3A_148, %parallel_loop3A_127 : i32
      %parallel_loop3A_150 = vector.broadcast %parallel_loop3A_149 : i32 to vector<16xi32>
      %parallel_loop3A_151 = arith.addi %parallel_loop3A_150, %iota3A : vector<16xi32>
      tpu.vector_store_idx %arg14[%parallel_loop3A_151], %broadcast_in_dim3A_11 : memref<8208xf32, #tpu.memory_space<vmem>>[vector<16xi32>], vector<16xf32>,
      %parallel_loop3A_152 = arith.constant 3078 : i32
      %parallel_loop3A_153 = arith.addi %parallel_loop3A_152, %parallel_loop3A_127 : i32
      %parallel_loop3A_154 = vector.broadcast %parallel_loop3A_153 : i32 to vector<16xi32>
      %parallel_loop3A_155 = arith.addi %parallel_loop3A_154, %iota3A : vector<16xi32>
      tpu.vector_store_idx %arg14[%parallel_loop3A_155], %broadcast_in_dim3A_11 : memref<8208xf32, #tpu.memory_space<vmem>>[vector<16xi32>], vector<16xf32>,
      %parallel_loop3A_156 = arith.constant 3591 : i32
      %parallel_loop3A_157 = arith.addi %parallel_loop3A_156, %parallel_loop3A_127 : i32
      %parallel_loop3A_158 = vector.broadcast %parallel_loop3A_157 : i32 to vector<16xi32>
      %parallel_loop3A_159 = arith.addi %parallel_loop3A_158, %iota3A : vector<16xi32>
      tpu.vector_store_idx %arg14[%parallel_loop3A_159], %broadcast_in_dim3A_11 : memref<8208xf32, #tpu.memory_space<vmem>>[vector<16xi32>], vector<16xf32>,
      %parallel_loop3A_160 = arith.constant 4104 : i32
      %parallel_loop3A_161 = arith.addi %parallel_loop3A_160, %parallel_loop3A_127 : i32
      %parallel_loop3A_162 = vector.broadcast %parallel_loop3A_161 : i32 to vector<16xi32>
      %parallel_loop3A_163 = arith.addi %parallel_loop3A_162, %iota3A : vector<16xi32>
      tpu.vector_store_idx %arg14[%parallel_loop3A_163], %broadcast_in_dim3A_11 : memref<8208xf32, #tpu.memory_space<vmem>>[vector<16xi32>], vector<16xf32>,
      %parallel_loop3A_164 = arith.constant 4617 : i32
      %parallel_loop3A_165 = arith.addi %parallel_loop3A_164, %parallel_loop3A_127 : i32
      %parallel_loop3A_166 = vector.broadcast %parallel_loop3A_165 : i32 to vector<16xi32>
      %parallel_loop3A_167 = arith.addi %parallel_loop3A_166, %iota3A : vector<16xi32>
      tpu.vector_store_idx %arg14[%parallel_loop3A_167], %broadcast_in_dim3A_11 : memref<8208xf32, #tpu.memory_space<vmem>>[vector<16xi32>], vector<16xf32>,
      %parallel_loop3A_168 = arith.constant 5130 : i32
      %parallel_loop3A_169 = arith.addi %parallel_loop3A_168, %parallel_loop3A_127 : i32
      %parallel_loop3A_170 = vector.broadcast %parallel_loop3A_169 : i32 to vector<16xi32>
      %parallel_loop3A_171 = arith.addi %parallel_loop3A_170, %iota3A : vector<16xi32>
      tpu.vector_store_idx %arg14[%parallel_loop3A_171], %broadcast_in_dim3A_11 : memref<8208xf32, #tpu.memory_space<vmem>>[vector<16xi32>], vector<16xf32>,
      %parallel_loop3A_172 = arith.constant 5643 : i32
      %parallel_loop3A_173 = arith.addi %parallel_loop3A_172, %parallel_loop3A_127 : i32
      %parallel_loop3A_174 = vector.broadcast %parallel_loop3A_173 : i32 to vector<16xi32>
      %parallel_loop3A_175 = arith.addi %parallel_loop3A_174, %iota3A : vector<16xi32>
      tpu.vector_store_idx %arg14[%parallel_loop3A_175], %broadcast_in_dim3A_11 : memref<8208xf32, #tpu.memory_space<vmem>>[vector<16xi32>], vector<16xf32>,
      %parallel_loop3A_176 = arith.constant 6156 : i32
      %parallel_loop3A_177 = arith.addi %parallel_loop3A_176, %parallel_loop3A_127 : i32
      %parallel_loop3A_178 = vector.broadcast %parallel_loop3A_177 : i32 to vector<16xi32>
      %parallel_loop3A_179 = arith.addi %parallel_loop3A_178, %iota3A : vector<16xi32>
      tpu.vector_store_idx %arg14[%parallel_loop3A_179], %broadcast_in_dim3A_11 : memref<8208xf32, #tpu.memory_space<vmem>>[vector<16xi32>], vector<16xf32>,
      %parallel_loop3A_180 = arith.constant 6669 : i32
      %parallel_loop3A_181 = arith.addi %parallel_loop3A_180, %parallel_loop3A_127 : i32
      %parallel_loop3A_182 = vector.broadcast %parallel_loop3A_181 : i32 to vector<16xi32>
      %parallel_loop3A_183 = arith.addi %parallel_loop3A_182, %iota3A : vector<16xi32>
      tpu.vector_store_idx %arg14[%parallel_loop3A_183], %broadcast_in_dim3A_11 : memref<8208xf32, #tpu.memory_space<vmem>>[vector<16xi32>], vector<16xf32>,
      %parallel_loop3A_184 = arith.constant 7182 : i32
      %parallel_loop3A_185 = arith.addi %parallel_loop3A_184, %parallel_loop3A_127 : i32
      %parallel_loop3A_186 = vector.broadcast %parallel_loop3A_185 : i32 to vector<16xi32>
      %parallel_loop3A_187 = arith.addi %parallel_loop3A_186, %iota3A : vector<16xi32>
      tpu.vector_store_idx %arg14[%parallel_loop3A_187], %broadcast_in_dim3A_11 : memref<8208xf32, #tpu.memory_space<vmem>>[vector<16xi32>], vector<16xf32>,
      %parallel_loop3A_188 = arith.constant 7695 : i32
      %parallel_loop3A_189 = arith.addi %parallel_loop3A_188, %parallel_loop3A_127 : i32
      %parallel_loop3A_190 = vector.broadcast %parallel_loop3A_189 : i32 to vector<16xi32>
      %parallel_loop3A_191 = arith.addi %parallel_loop3A_190, %iota3A : vector<16xi32>
      tpu.vector_store_idx %arg14[%parallel_loop3A_191], %broadcast_in_dim3A_11 : memref<8208xf32, #tpu.memory_space<vmem>>[vector<16xi32>], vector<16xf32>,
    } {sc.loop_unroll_factor = 1 : i64, sc.parallel_access}
    tpu.wait_dma2 semaphore(%arg19 : memref<!tpu.dma_semaphore, #tpu.memory_space<semaphore_mem>>) src(%arg5 : memref<119xf32, #tpu.memory_space<hbm>>) dst(%arg11 : memref<119xf32, #tpu.memory_space<vmem>>)
    tpu.wait_dma2 semaphore(%arg20 : memref<!tpu.dma_semaphore, #tpu.memory_space<semaphore_mem>>) src(%arg6 : memref<119xf32, #tpu.memory_space<hbm>>) dst(%arg12 : memref<119xf32, #tpu.memory_space<vmem>>)
    %scan3A = arith.constant 0 : i32
    %scan3A_83 = arith.constant 8 : i32
    %scan3A_84 = arith.addi %scan3A, %scan3A_83 : i32
    %scan3A_85 = arith.constant 1 : i32
    scf.for %scan3A_127 = %scan3A to %scan3A_84 step %scan3A_85  : i32 {
      %mul3A_128 = arith.constant 16 : i32
      %mul3A_129 = arith.muli %scan3A_127, %mul3A_128 : i32
      %add3A_130 = arith.constant 0 : i32
      %add3A_131 = arith.addi %add3A_130, %mul3A_129 : i32
      %add3A_132 = vector.broadcast %add3A_131 : i32 to vector<16xi32>
      %add3A_133 = arith.addi %add3A_132, %iota3A : vector<16xi32>
      %min3A_134 = arith.constant 118 : i32
      %min3A_135 = vector.broadcast %min3A_134 : i32 to vector<16xi32>
      %min3A_136 = arith.minsi %add3A_133, %min3A_135 : vector<16xi32>
      %gather3A = tpu.vector_load_idx %arg11[%min3A_136] : memref<119xf32, #tpu.memory_space<vmem>>[vector<16xi32>], vector<16xf32>,
      %gather3A_137 = tpu.vector_load_idx %arg12[%min3A_136] : memref<119xf32, #tpu.memory_space<vmem>>[vector<16xi32>], vector<16xf32>,
      %mul3A_138 = arith.mulf %gather3A, %gather3A_137 : vector<16xf32>
      %mul3A_139 = arith.constant 16 : i32
      %mul3A_140 = vector.broadcast %mul3A_139 : i32 to vector<16xi32>
      %mul3A_141 = arith.muli %min3A_136, %mul3A_140 : vector<16xi32>
      %add3A_142 = arith.constant 0 : i32
      %add3A_143 = vector.broadcast %add3A_142 : i32 to vector<16xi32>
      %add3A_144 = arith.addi %mul3A_141, %add3A_143 : vector<16xi32>
      tpu.vector_store_idx %arg13[%add3A_144], %mul3A_138 : memref<1904xf32, #tpu.memory_space<vmem>>[vector<16xi32>], vector<16xf32>,
      %mul3A_145 = arith.constant 16 : i32
      %mul3A_146 = vector.broadcast %mul3A_145 : i32 to vector<16xi32>
      %mul3A_147 = arith.muli %min3A_136, %mul3A_146 : vector<16xi32>
      %add3A_148 = arith.constant 1 : i32
      %add3A_149 = vector.broadcast %add3A_148 : i32 to vector<16xi32>
      %add3A_150 = arith.addi %mul3A_147, %add3A_149 : vector<16xi32>
      tpu.vector_store_idx %arg13[%add3A_150], %mul3A_138 : memref<1904xf32, #tpu.memory_space<vmem>>[vector<16xi32>], vector<16xf32>,
      %mul3A_151 = arith.constant 16 : i32
      %mul3A_152 = vector.broadcast %mul3A_151 : i32 to vector<16xi32>
      %mul3A_153 = arith.muli %min3A_136, %mul3A_152 : vector<16xi32>
      %add3A_154 = arith.constant 2 : i32
      %add3A_155 = vector.broadcast %add3A_154 : i32 to vector<16xi32>
      %add3A_156 = arith.addi %mul3A_153, %add3A_155 : vector<16xi32>
      tpu.vector_store_idx %arg13[%add3A_156], %mul3A_138 : memref<1904xf32, #tpu.memory_space<vmem>>[vector<16xi32>], vector<16xf32>,
      %mul3A_157 = arith.constant 16 : i32
      %mul3A_158 = vector.broadcast %mul3A_157 : i32 to vector<16xi32>
      %mul3A_159 = arith.muli %min3A_136, %mul3A_158 : vector<16xi32>
      %add3A_160 = arith.constant 3 : i32
      %add3A_161 = vector.broadcast %add3A_160 : i32 to vector<16xi32>
      %add3A_162 = arith.addi %mul3A_159, %add3A_161 : vector<16xi32>
      tpu.vector_store_idx %arg13[%add3A_162], %mul3A_138 : memref<1904xf32, #tpu.memory_space<vmem>>[vector<16xi32>], vector<16xf32>,
      %mul3A_163 = arith.constant 16 : i32
      %mul3A_164 = vector.broadcast %mul3A_163 : i32 to vector<16xi32>
      %mul3A_165 = arith.muli %min3A_136, %mul3A_164 : vector<16xi32>
      %add3A_166 = arith.constant 4 : i32
      %add3A_167 = vector.broadcast %add3A_166 : i32 to vector<16xi32>
      %add3A_168 = arith.addi %mul3A_165, %add3A_167 : vector<16xi32>
      tpu.vector_store_idx %arg13[%add3A_168], %mul3A_138 : memref<1904xf32, #tpu.memory_space<vmem>>[vector<16xi32>], vector<16xf32>,
      %mul3A_169 = arith.constant 16 : i32
      %mul3A_170 = vector.broadcast %mul3A_169 : i32 to vector<16xi32>
      %mul3A_171 = arith.muli %min3A_136, %mul3A_170 : vector<16xi32>
      %add3A_172 = arith.constant 5 : i32
      %add3A_173 = vector.broadcast %add3A_172 : i32 to vector<16xi32>
      %add3A_174 = arith.addi %mul3A_171, %add3A_173 : vector<16xi32>
      tpu.vector_store_idx %arg13[%add3A_174], %mul3A_138 : memref<1904xf32, #tpu.memory_space<vmem>>[vector<16xi32>], vector<16xf32>,
      %mul3A_175 = arith.constant 16 : i32
      %mul3A_176 = vector.broadcast %mul3A_175 : i32 to vector<16xi32>
      %mul3A_177 = arith.muli %min3A_136, %mul3A_176 : vector<16xi32>
      %add3A_178 = arith.constant 6 : i32
      %add3A_179 = vector.broadcast %add3A_178 : i32 to vector<16xi32>
      %add3A_180 = arith.addi %mul3A_177, %add3A_179 : vector<16xi32>
      tpu.vector_store_idx %arg13[%add3A_180], %mul3A_138 : memref<1904xf32, #tpu.memory_space<vmem>>[vector<16xi32>], vector<16xf32>,
      %mul3A_181 = arith.constant 16 : i32
      %mul3A_182 = vector.broadcast %mul3A_181 : i32 to vector<16xi32>
      %mul3A_183 = arith.muli %min3A_136, %mul3A_182 : vector<16xi32>
      %add3A_184 = arith.constant 7 : i32
      %add3A_185 = vector.broadcast %add3A_184 : i32 to vector<16xi32>
      %add3A_186 = arith.addi %mul3A_183, %add3A_185 : vector<16xi32>
      tpu.vector_store_idx %arg13[%add3A_186], %mul3A_138 : memref<1904xf32, #tpu.memory_space<vmem>>[vector<16xi32>], vector<16xf32>,
      %mul3A_187 = arith.constant 16 : i32
      %mul3A_188 = vector.broadcast %mul3A_187 : i32 to vector<16xi32>
      %mul3A_189 = arith.muli %min3A_136, %mul3A_188 : vector<16xi32>
      %add3A_190 = arith.constant 8 : i32
      %add3A_191 = vector.broadcast %add3A_190 : i32 to vector<16xi32>
      %add3A_192 = arith.addi %mul3A_189, %add3A_191 : vector<16xi32>
      tpu.vector_store_idx %arg13[%add3A_192], %mul3A_138 : memref<1904xf32, #tpu.memory_space<vmem>>[vector<16xi32>], vector<16xf32>,
      %mul3A_193 = arith.constant 16 : i32
      %mul3A_194 = vector.broadcast %mul3A_193 : i32 to vector<16xi32>
      %mul3A_195 = arith.muli %min3A_136, %mul3A_194 : vector<16xi32>
      %add3A_196 = arith.constant 9 : i32
      %add3A_197 = vector.broadcast %add3A_196 : i32 to vector<16xi32>
      %add3A_198 = arith.addi %mul3A_195, %add3A_197 : vector<16xi32>
      tpu.vector_store_idx %arg13[%add3A_198], %mul3A_138 : memref<1904xf32, #tpu.memory_space<vmem>>[vector<16xi32>], vector<16xf32>,
      %mul3A_199 = arith.constant 16 : i32
      %mul3A_200 = vector.broadcast %mul3A_199 : i32 to vector<16xi32>
      %mul3A_201 = arith.muli %min3A_136, %mul3A_200 : vector<16xi32>
      %add3A_202 = arith.constant 10 : i32
      %add3A_203 = vector.broadcast %add3A_202 : i32 to vector<16xi32>
      %add3A_204 = arith.addi %mul3A_201, %add3A_203 : vector<16xi32>
      tpu.vector_store_idx %arg13[%add3A_204], %mul3A_138 : memref<1904xf32, #tpu.memory_space<vmem>>[vector<16xi32>], vector<16xf32>,
      %mul3A_205 = arith.constant 16 : i32
      %mul3A_206 = vector.broadcast %mul3A_205 : i32 to vector<16xi32>
      %mul3A_207 = arith.muli %min3A_136, %mul3A_206 : vector<16xi32>
      %add3A_208 = arith.constant 11 : i32
      %add3A_209 = vector.broadcast %add3A_208 : i32 to vector<16xi32>
      %add3A_210 = arith.addi %mul3A_207, %add3A_209 : vector<16xi32>
      tpu.vector_store_idx %arg13[%add3A_210], %mul3A_138 : memref<1904xf32, #tpu.memory_space<vmem>>[vector<16xi32>], vector<16xf32>,
      %mul3A_211 = arith.constant 16 : i32
      %mul3A_212 = vector.broadcast %mul3A_211 : i32 to vector<16xi32>
      %mul3A_213 = arith.muli %min3A_136, %mul3A_212 : vector<16xi32>
      %add3A_214 = arith.constant 12 : i32
      %add3A_215 = vector.broadcast %add3A_214 : i32 to vector<16xi32>
      %add3A_216 = arith.addi %mul3A_213, %add3A_215 : vector<16xi32>
      tpu.vector_store_idx %arg13[%add3A_216], %mul3A_138 : memref<1904xf32, #tpu.memory_space<vmem>>[vector<16xi32>], vector<16xf32>,
      %mul3A_217 = arith.constant 16 : i32
      %mul3A_218 = vector.broadcast %mul3A_217 : i32 to vector<16xi32>
      %mul3A_219 = arith.muli %min3A_136, %mul3A_218 : vector<16xi32>
      %add3A_220 = arith.constant 13 : i32
      %add3A_221 = vector.broadcast %add3A_220 : i32 to vector<16xi32>
      %add3A_222 = arith.addi %mul3A_219, %add3A_221 : vector<16xi32>
      tpu.vector_store_idx %arg13[%add3A_222], %mul3A_138 : memref<1904xf32, #tpu.memory_space<vmem>>[vector<16xi32>], vector<16xf32>,
      %mul3A_223 = arith.constant 16 : i32
      %mul3A_224 = vector.broadcast %mul3A_223 : i32 to vector<16xi32>
      %mul3A_225 = arith.muli %min3A_136, %mul3A_224 : vector<16xi32>
      %add3A_226 = arith.constant 14 : i32
      %add3A_227 = vector.broadcast %add3A_226 : i32 to vector<16xi32>
      %add3A_228 = arith.addi %mul3A_225, %add3A_227 : vector<16xi32>
      tpu.vector_store_idx %arg13[%add3A_228], %mul3A_138 : memref<1904xf32, #tpu.memory_space<vmem>>[vector<16xi32>], vector<16xf32>,
      %mul3A_229 = arith.constant 16 : i32
      %mul3A_230 = vector.broadcast %mul3A_229 : i32 to vector<16xi32>
      %mul3A_231 = arith.muli %min3A_136, %mul3A_230 : vector<16xi32>
      %add3A_232 = arith.constant 15 : i32
      %add3A_233 = vector.broadcast %add3A_232 : i32 to vector<16xi32>
      %add3A_234 = arith.addi %mul3A_231, %add3A_233 : vector<16xi32>
      tpu.vector_store_idx %arg13[%add3A_234], %mul3A_138 : memref<1904xf32, #tpu.memory_space<vmem>>[vector<16xi32>], vector<16xf32>,
    }
    %scan3A_86 = arith.constant 8 : i32
    %dma_wait3A_87 = tpu.memref_slice %arg2[%min3A_3] : memref<100000xf32, #tpu.memory_space<hbm>> -> memref<3136xf32, #tpu.memory_space<hbm>>
    %dma_wait3A_88 = tpu.memref_slice %arg2[%min3A_3] : memref<100000xf32, #tpu.memory_space<hbm>> -> memref<3136xf32, #tpu.memory_space<hbm>>
    tpu.wait_dma2 semaphore(%arg16 : memref<!tpu.dma_semaphore, #tpu.memory_space<semaphore_mem>>) src(%dma_wait3A_88 : memref<3136xf32, #tpu.memory_space<hbm>>) dst(%arg8 : memref<3136xf32, #tpu.memory_space<vmem>>)
    %dma_wait3A_89 = tpu.memref_slice %arg3[%min3A_3] : memref<100000xi32, #tpu.memory_space<hbm>> -> memref<3136xi32, #tpu.memory_space<hbm>>
    %dma_wait3A_90 = tpu.memref_slice %arg3[%min3A_3] : memref<100000xi32, #tpu.memory_space<hbm>> -> memref<3136xi32, #tpu.memory_space<hbm>>
    tpu.wait_dma2 semaphore(%arg17 : memref<!tpu.dma_semaphore, #tpu.memory_space<semaphore_mem>>) src(%dma_wait3A_90 : memref<3136xi32, #tpu.memory_space<hbm>>) dst(%arg9 : memref<3136xi32, #tpu.memory_space<vmem>>)
    %sub3A_91 = arith.constant 3136 : i32
    %sub3A_92 = arith.subi %sub3A_91, %min3A_5 : i32
    %jit3A_93 = arith.constant 64 : i32
    %eq3A = arith.constant 0 : i32
    %eq3A_94 = arith.cmpi eq, %jit3A_93, %eq3A : i32
    %jit3A_95 = arith.constant 1 : i32
    %select_n3A_96 = arith.select %eq3A_94, %jit3A_95, %jit3A_93 : i32
    %rem3A_97 = arith.remsi %sub3A_92, %select_n3A_96 : i32
    %ne3A_98 = arith.constant 0 : i32
    %ne3A_99 = arith.cmpi ne, %rem3A_97, %ne3A_98 : i32
    %lt3A = arith.constant 0 : i32
    %lt3A_100 = arith.cmpi slt, %rem3A_97, %lt3A : i32
    %lt3A_101 = arith.constant 0 : i32
    %lt3A_102 = arith.cmpi slt, %select_n3A_96, %lt3A_101 : i32
    %ne3A_103 = arith.xori %lt3A_100, %lt3A_102 : i1
    %and3A_104 = arith.andi %ne3A_103, %ne3A_99 : i1
    %add3A_105 = arith.addi %rem3A_97, %select_n3A_96 : i32
    %select_n3A_106 = arith.select %and3A_104, %add3A_105, %rem3A_97 : i32
    %add3A_107 = arith.addi %min3A_5, %select_n3A_106 : i32
    %sub3A_108 = arith.subi %add3A_107, %min3A_5 : i32
    %sub3A_109 = arith.constant 16 : i32
    %sub3A_110 = arith.constant 1 : i32
    %sub3A_111 = arith.subi %sub3A_109, %sub3A_110 : i32
    %add3A_112 = arith.addi %sub3A_108, %sub3A_111 : i32
    %div3A_113 = arith.constant 16 : i32
    %div3A_114 = arith.divsi %add3A_112, %div3A_113 : i32
    %while3A = arith.constant 16 : i32
    %while3A_115 = arith.constant 0 : i32
    %while3A_116 = arith.subi %div3A_114, %while3A_115 : i32
    %while3A_117 = arith.addi %while3A_115, %while3A_116 : i32
    %while3A_118 = arith.constant 1 : i32
    %while3A_119 = arith.divsi %while3A_116, %while3A_118 : i32
    %while3A_120 = arith.muli %while3A_119, %while3A_118 : i32
    %while3A_121 = arith.addi %while3A_115, %while3A_120 : i32
    %while3A_122 = arith.constant 1 : i32
    scf.for %while3A_127 = %while3A_115 to %while3A_121 step %while3A_122  : i32 {
      %mul3A_128 = arith.muli %while3A_127, %while3A : i32
      %add3A_129 = arith.addi %min3A_5, %mul3A_128 : i32
      %get3A_130 = arith.index_cast %add3A_129 : i32 to index
      %get3A_131 = tpu.vector_load %arg9[%get3A_130] {strides = array<i32>} : memref<3136xi32, #tpu.memory_space<vmem>>, vector<16xi32>,
      %get3A_132 = arith.index_cast %add3A_129 : i32 to index
      %get3A_133 = tpu.vector_load %arg8[%get3A_132] {strides = array<i32>} : memref<3136xf32, #tpu.memory_space<vmem>>, vector<16xf32>,
      %mul3A_134 = arith.constant 16 : i32
      %mul3A_135 = vector.broadcast %mul3A_134 : i32 to vector<16xi32>
      %mul3A_136 = arith.muli %get3A_131, %mul3A_135 : vector<16xi32>
      %add3A_137 = arith.addi %mul3A_136, %iota3A : vector<16xi32>
      %gather3A = tpu.vector_load_idx %arg13[%add3A_137] : memref<1904xf32, #tpu.memory_space<vmem>>[vector<16xi32>], vector<16xf32>,
      %get3A_138 = arith.index_cast %add3A_129 : i32 to index
      %get3A_139 = tpu.vector_load %arg10[%get3A_138] {strides = array<i32>} : memref<3136xi32, #tpu.memory_space<vmem>>, vector<16xi32>,
      %add3A_140 = arith.addi %mul3A_81, %get3A_139 : vector<16xi32>
      %mul3A_141 = arith.mulf %get3A_133, %gather3A : vector<16xf32>
      tpu.vector_store_idx %arg14[%add3A_140], %mul3A_141 {add = true} : memref<8208xf32, #tpu.memory_space<vmem>>[vector<16xi32>], vector<16xf32>,
    }
    %while3A_123 = arith.constant 1 : i32
    scf.for %while3A_127 = %while3A_121 to %while3A_117 step %while3A_123  : i32 {
      %mul3A_128 = arith.muli %while3A_127, %while3A : i32
      %add3A_129 = arith.addi %min3A_5, %mul3A_128 : i32
      %get3A_130 = arith.index_cast %add3A_129 : i32 to index
      %get3A_131 = tpu.vector_load %arg9[%get3A_130] {strides = array<i32>} : memref<3136xi32, #tpu.memory_space<vmem>>, vector<16xi32>,
      %get3A_132 = arith.index_cast %add3A_129 : i32 to index
      %get3A_133 = tpu.vector_load %arg8[%get3A_132] {strides = array<i32>} : memref<3136xf32, #tpu.memory_space<vmem>>, vector<16xf32>,
      %mul3A_134 = arith.constant 16 : i32
      %mul3A_135 = vector.broadcast %mul3A_134 : i32 to vector<16xi32>
      %mul3A_136 = arith.muli %get3A_131, %mul3A_135 : vector<16xi32>
      %add3A_137 = arith.addi %mul3A_136, %iota3A : vector<16xi32>
      %gather3A = tpu.vector_load_idx %arg13[%add3A_137] : memref<1904xf32, #tpu.memory_space<vmem>>[vector<16xi32>], vector<16xf32>,
      %get3A_138 = arith.index_cast %add3A_129 : i32 to index
      %get3A_139 = tpu.vector_load %arg10[%get3A_138] {strides = array<i32>} : memref<3136xi32, #tpu.memory_space<vmem>>, vector<16xi32>,
      %add3A_140 = arith.addi %mul3A_81, %get3A_139 : vector<16xi32>
      %mul3A_141 = arith.mulf %get3A_133, %gather3A : vector<16xf32>
      tpu.vector_store_idx %arg14[%add3A_140], %mul3A_141 {add = true} : memref<8208xf32, #tpu.memory_space<vmem>>[vector<16xi32>], vector<16xf32>,
    }
    %parallel_loop3A_124 = arith.constant 3136 : i32
    %parallel_loop3A_125 = arith.constant 16 : i32
    scf.for %parallel_loop3A_127 = %add3A_107 to %parallel_loop3A_124 step %parallel_loop3A_125  : i32 {
      %parallel_loop3A_128 = arith.index_cast %parallel_loop3A_127 : i32 to index
      %parallel_loop3A_129 = tpu.vector_load %arg9[%parallel_loop3A_128] {strides = array<i32>} : memref<3136xi32, #tpu.memory_space<vmem>>, vector<16xi32>,
      %parallel_loop3A_130 = arith.index_cast %parallel_loop3A_127 : i32 to index
      %parallel_loop3A_131 = tpu.vector_load %arg8[%parallel_loop3A_130] {strides = array<i32>} : memref<3136xf32, #tpu.memory_space<vmem>>, vector<16xf32>,
      %parallel_loop3A_132 = arith.constant 16 : i32
      %parallel_loop3A_133 = vector.broadcast %parallel_loop3A_132 : i32 to vector<16xi32>
      %parallel_loop3A_134 = arith.muli %parallel_loop3A_129, %parallel_loop3A_133 : vector<16xi32>
      %parallel_loop3A_135 = arith.addi %parallel_loop3A_134, %iota3A : vector<16xi32>
      %parallel_loop3A_136 = tpu.vector_load_idx %arg13[%parallel_loop3A_135] : memref<1904xf32, #tpu.memory_space<vmem>>[vector<16xi32>], vector<16xf32>,
      %parallel_loop3A_137 = arith.index_cast %parallel_loop3A_127 : i32 to index
      %parallel_loop3A_138 = tpu.vector_load %arg10[%parallel_loop3A_137] {strides = array<i32>} : memref<3136xi32, #tpu.memory_space<vmem>>, vector<16xi32>,
      %parallel_loop3A_139 = arith.addi %mul3A_81, %parallel_loop3A_138 : vector<16xi32>
      %parallel_loop3A_140 = arith.mulf %parallel_loop3A_131, %parallel_loop3A_136 : vector<16xf32>
      tpu.vector_store_idx %arg14[%parallel_loop3A_139], %parallel_loop3A_140 {add = true} : memref<8208xf32, #tpu.memory_space<vmem>>[vector<16xi32>], vector<16xf32>,
    } {sc.loop_unroll_factor = 4 : i64, sc.parallel_access}
    %parallel_loop3A_126 = arith.constant 16 : i32
    scf.for %parallel_loop3A_127 = %mul3A_50 to %add3A_78 step %parallel_loop3A_126  : i32 {
      %parallel_loop3A_128 = arith.constant 0 : i32
      %parallel_loop3A_129 = arith.addi %parallel_loop3A_128, %parallel_loop3A_127 : i32
      %parallel_loop3A_130 = vector.broadcast %parallel_loop3A_129 : i32 to vector<16xi32>
      %parallel_loop3A_131 = arith.addi %parallel_loop3A_130, %iota3A : vector<16xi32>
      %parallel_loop3A_132 = tpu.vector_load_idx %arg14[%parallel_loop3A_131] : memref<8208xf32, #tpu.memory_space<vmem>>[vector<16xi32>], vector<16xf32>,
      %parallel_loop3A_133 = arith.constant 513 : i32
      %parallel_loop3A_134 = arith.addi %parallel_loop3A_133, %parallel_loop3A_127 : i32
      %parallel_loop3A_135 = vector.broadcast %parallel_loop3A_134 : i32 to vector<16xi32>
      %parallel_loop3A_136 = arith.addi %parallel_loop3A_135, %iota3A : vector<16xi32>
      %parallel_loop3A_137 = tpu.vector_load_idx %arg14[%parallel_loop3A_136] : memref<8208xf32, #tpu.memory_space<vmem>>[vector<16xi32>], vector<16xf32>,
      %parallel_loop3A_138 = arith.constant 1026 : i32
      %parallel_loop3A_139 = arith.addi %parallel_loop3A_138, %parallel_loop3A_127 : i32
      %parallel_loop3A_140 = vector.broadcast %parallel_loop3A_139 : i32 to vector<16xi32>
      %parallel_loop3A_141 = arith.addi %parallel_loop3A_140, %iota3A : vector<16xi32>
      %parallel_loop3A_142 = tpu.vector_load_idx %arg14[%parallel_loop3A_141] : memref<8208xf32, #tpu.memory_space<vmem>>[vector<16xi32>], vector<16xf32>,
      %parallel_loop3A_143 = arith.constant 1539 : i32
      %parallel_loop3A_144 = arith.addi %parallel_loop3A_143, %parallel_loop3A_127 : i32
      %parallel_loop3A_145 = vector.broadcast %parallel_loop3A_144 : i32 to vector<16xi32>
      %parallel_loop3A_146 = arith.addi %parallel_loop3A_145, %iota3A : vector<16xi32>
      %parallel_loop3A_147 = tpu.vector_load_idx %arg14[%parallel_loop3A_146] : memref<8208xf32, #tpu.memory_space<vmem>>[vector<16xi32>], vector<16xf32>,
      %parallel_loop3A_148 = arith.constant 2052 : i32
      %parallel_loop3A_149 = arith.addi %parallel_loop3A_148, %parallel_loop3A_127 : i32
      %parallel_loop3A_150 = vector.broadcast %parallel_loop3A_149 : i32 to vector<16xi32>
      %parallel_loop3A_151 = arith.addi %parallel_loop3A_150, %iota3A : vector<16xi32>
      %parallel_loop3A_152 = tpu.vector_load_idx %arg14[%parallel_loop3A_151] : memref<8208xf32, #tpu.memory_space<vmem>>[vector<16xi32>], vector<16xf32>,
      %parallel_loop3A_153 = arith.constant 2565 : i32
      %parallel_loop3A_154 = arith.addi %parallel_loop3A_153, %parallel_loop3A_127 : i32
      %parallel_loop3A_155 = vector.broadcast %parallel_loop3A_154 : i32 to vector<16xi32>
      %parallel_loop3A_156 = arith.addi %parallel_loop3A_155, %iota3A : vector<16xi32>
      %parallel_loop3A_157 = tpu.vector_load_idx %arg14[%parallel_loop3A_156] : memref<8208xf32, #tpu.memory_space<vmem>>[vector<16xi32>], vector<16xf32>,
      %parallel_loop3A_158 = arith.constant 3078 : i32
      %parallel_loop3A_159 = arith.addi %parallel_loop3A_158, %parallel_loop3A_127 : i32
      %parallel_loop3A_160 = vector.broadcast %parallel_loop3A_159 : i32 to vector<16xi32>
      %parallel_loop3A_161 = arith.addi %parallel_loop3A_160, %iota3A : vector<16xi32>
      %parallel_loop3A_162 = tpu.vector_load_idx %arg14[%parallel_loop3A_161] : memref<8208xf32, #tpu.memory_space<vmem>>[vector<16xi32>], vector<16xf32>,
      %parallel_loop3A_163 = arith.constant 3591 : i32
      %parallel_loop3A_164 = arith.addi %parallel_loop3A_163, %parallel_loop3A_127 : i32
      %parallel_loop3A_165 = vector.broadcast %parallel_loop3A_164 : i32 to vector<16xi32>
      %parallel_loop3A_166 = arith.addi %parallel_loop3A_165, %iota3A : vector<16xi32>
      %parallel_loop3A_167 = tpu.vector_load_idx %arg14[%parallel_loop3A_166] : memref<8208xf32, #tpu.memory_space<vmem>>[vector<16xi32>], vector<16xf32>,
      %parallel_loop3A_168 = arith.constant 4104 : i32
      %parallel_loop3A_169 = arith.addi %parallel_loop3A_168, %parallel_loop3A_127 : i32
      %parallel_loop3A_170 = vector.broadcast %parallel_loop3A_169 : i32 to vector<16xi32>
      %parallel_loop3A_171 = arith.addi %parallel_loop3A_170, %iota3A : vector<16xi32>
      %parallel_loop3A_172 = tpu.vector_load_idx %arg14[%parallel_loop3A_171] : memref<8208xf32, #tpu.memory_space<vmem>>[vector<16xi32>], vector<16xf32>,
      %parallel_loop3A_173 = arith.constant 4617 : i32
      %parallel_loop3A_174 = arith.addi %parallel_loop3A_173, %parallel_loop3A_127 : i32
      %parallel_loop3A_175 = vector.broadcast %parallel_loop3A_174 : i32 to vector<16xi32>
      %parallel_loop3A_176 = arith.addi %parallel_loop3A_175, %iota3A : vector<16xi32>
      %parallel_loop3A_177 = tpu.vector_load_idx %arg14[%parallel_loop3A_176] : memref<8208xf32, #tpu.memory_space<vmem>>[vector<16xi32>], vector<16xf32>,
      %parallel_loop3A_178 = arith.constant 5130 : i32
      %parallel_loop3A_179 = arith.addi %parallel_loop3A_178, %parallel_loop3A_127 : i32
      %parallel_loop3A_180 = vector.broadcast %parallel_loop3A_179 : i32 to vector<16xi32>
      %parallel_loop3A_181 = arith.addi %parallel_loop3A_180, %iota3A : vector<16xi32>
      %parallel_loop3A_182 = tpu.vector_load_idx %arg14[%parallel_loop3A_181] : memref<8208xf32, #tpu.memory_space<vmem>>[vector<16xi32>], vector<16xf32>,
      %parallel_loop3A_183 = arith.constant 5643 : i32
      %parallel_loop3A_184 = arith.addi %parallel_loop3A_183, %parallel_loop3A_127 : i32
      %parallel_loop3A_185 = vector.broadcast %parallel_loop3A_184 : i32 to vector<16xi32>
      %parallel_loop3A_186 = arith.addi %parallel_loop3A_185, %iota3A : vector<16xi32>
      %parallel_loop3A_187 = tpu.vector_load_idx %arg14[%parallel_loop3A_186] : memref<8208xf32, #tpu.memory_space<vmem>>[vector<16xi32>], vector<16xf32>,
      %parallel_loop3A_188 = arith.constant 6156 : i32
      %parallel_loop3A_189 = arith.addi %parallel_loop3A_188, %parallel_loop3A_127 : i32
      %parallel_loop3A_190 = vector.broadcast %parallel_loop3A_189 : i32 to vector<16xi32>
      %parallel_loop3A_191 = arith.addi %parallel_loop3A_190, %iota3A : vector<16xi32>
      %parallel_loop3A_192 = tpu.vector_load_idx %arg14[%parallel_loop3A_191] : memref<8208xf32, #tpu.memory_space<vmem>>[vector<16xi32>], vector<16xf32>,
      %parallel_loop3A_193 = arith.constant 6669 : i32
      %parallel_loop3A_194 = arith.addi %parallel_loop3A_193, %parallel_loop3A_127 : i32
      %parallel_loop3A_195 = vector.broadcast %parallel_loop3A_194 : i32 to vector<16xi32>
      %parallel_loop3A_196 = arith.addi %parallel_loop3A_195, %iota3A : vector<16xi32>
      %parallel_loop3A_197 = tpu.vector_load_idx %arg14[%parallel_loop3A_196] : memref<8208xf32, #tpu.memory_space<vmem>>[vector<16xi32>], vector<16xf32>,
      %parallel_loop3A_198 = arith.constant 7182 : i32
      %parallel_loop3A_199 = arith.addi %parallel_loop3A_198, %parallel_loop3A_127 : i32
      %parallel_loop3A_200 = vector.broadcast %parallel_loop3A_199 : i32 to vector<16xi32>
      %parallel_loop3A_201 = arith.addi %parallel_loop3A_200, %iota3A : vector<16xi32>
      %parallel_loop3A_202 = tpu.vector_load_idx %arg14[%parallel_loop3A_201] : memref<8208xf32, #tpu.memory_space<vmem>>[vector<16xi32>], vector<16xf32>,
      %parallel_loop3A_203 = arith.constant 7695 : i32
      %parallel_loop3A_204 = arith.addi %parallel_loop3A_203, %parallel_loop3A_127 : i32
      %parallel_loop3A_205 = vector.broadcast %parallel_loop3A_204 : i32 to vector<16xi32>
      %parallel_loop3A_206 = arith.addi %parallel_loop3A_205, %iota3A : vector<16xi32>
      %parallel_loop3A_207 = tpu.vector_load_idx %arg14[%parallel_loop3A_206] : memref<8208xf32, #tpu.memory_space<vmem>>[vector<16xi32>], vector<16xf32>,
      %parallel_loop3A_208 = arith.addf %parallel_loop3A_132, %parallel_loop3A_137 : vector<16xf32>
      %parallel_loop3A_209 = arith.addf %parallel_loop3A_142, %parallel_loop3A_147 : vector<16xf32>
      %parallel_loop3A_210 = arith.addf %parallel_loop3A_152, %parallel_loop3A_157 : vector<16xf32>
      %parallel_loop3A_211 = arith.addf %parallel_loop3A_162, %parallel_loop3A_167 : vector<16xf32>
      %parallel_loop3A_212 = arith.addf %parallel_loop3A_172, %parallel_loop3A_177 : vector<16xf32>
      %parallel_loop3A_213 = arith.addf %parallel_loop3A_182, %parallel_loop3A_187 : vector<16xf32>
      %parallel_loop3A_214 = arith.addf %parallel_loop3A_192, %parallel_loop3A_197 : vector<16xf32>
      %parallel_loop3A_215 = arith.addf %parallel_loop3A_202, %parallel_loop3A_207 : vector<16xf32>
      %parallel_loop3A_216 = arith.addf %parallel_loop3A_208, %parallel_loop3A_209 : vector<16xf32>
      %parallel_loop3A_217 = arith.addf %parallel_loop3A_210, %parallel_loop3A_211 : vector<16xf32>
      %parallel_loop3A_218 = arith.addf %parallel_loop3A_212, %parallel_loop3A_213 : vector<16xf32>
      %parallel_loop3A_219 = arith.addf %parallel_loop3A_214, %parallel_loop3A_215 : vector<16xf32>
      %parallel_loop3A_220 = arith.addf %parallel_loop3A_216, %parallel_loop3A_217 : vector<16xf32>
      %parallel_loop3A_221 = arith.addf %parallel_loop3A_218, %parallel_loop3A_219 : vector<16xf32>
      %parallel_loop3A_222 = arith.addf %parallel_loop3A_220, %parallel_loop3A_221 : vector<16xf32>
      %parallel_loop3A_223 = arith.index_cast %parallel_loop3A_127 : i32 to index
      %parallel_loop3A_224 = tpu.vector_load %arg15[%parallel_loop3A_223] {strides = array<i32>} : memref<512xf32, #tpu.memory_space<vmem>>, vector<16xf32>,
      tpu.vector_store %arg15[%parallel_loop3A_223], %parallel_loop3A_222 {strides = array<i32>} : memref<512xf32, #tpu.memory_space<vmem>>, vector<16xf32>,
    } {sc.loop_unroll_factor = 1 : i64, sc.parallel_access}
    "tpu.region"() ({
      %run_scoped3A = tpu.sem_alloc : memref<!tpu.dma_semaphore, #tpu.memory_space<semaphore_mem>>
      %dma_start3A_127 = arith.constant 0 : i32
      %dma_start3A_128 = tpu.memref_slice %arg7[%add3A, %dma_start3A_127] : memref<32x512xf32, #tpu.memory_space<hbm>> -> memref<1x512xf32, #tpu.memory_space<hbm>>
      %dma_start3A_129 = tpu.memref_squeeze %dma_start3A_128 : memref<1x512xf32, #tpu.memory_space<hbm>> -> memref<512xf32, #tpu.memory_space<hbm>>
      %dma_start3A_130 = arith.constant 0 : i32
      %dma_start3A_131 = tpu.memref_slice %arg7[%add3A, %dma_start3A_130] : memref<32x512xf32, #tpu.memory_space<hbm>> -> memref<1x512xf32, #tpu.memory_space<hbm>>
      %dma_start3A_132 = tpu.memref_squeeze %dma_start3A_131 : memref<1x512xf32, #tpu.memory_space<hbm>> -> memref<512xf32, #tpu.memory_space<hbm>>
      tpu.enqueue_dma source(%arg15 : memref<512xf32, #tpu.memory_space<vmem>>) target(%dma_start3A_132 : memref<512xf32, #tpu.memory_space<hbm>>) target_semaphore(%run_scoped3A : memref<!tpu.dma_semaphore, #tpu.memory_space<semaphore_mem>>)
      %dma_wait3A_133 = arith.constant 0 : i32
      %dma_wait3A_134 = tpu.memref_slice %arg7[%add3A, %dma_wait3A_133] : memref<32x512xf32, #tpu.memory_space<hbm>> -> memref<1x512xf32, #tpu.memory_space<hbm>>
      %dma_wait3A_135 = tpu.memref_squeeze %dma_wait3A_134 : memref<1x512xf32, #tpu.memory_space<hbm>> -> memref<512xf32, #tpu.memory_space<hbm>>
      %dma_wait3A_136 = arith.constant 0 : i32
      %dma_wait3A_137 = tpu.memref_slice %arg7[%add3A, %dma_wait3A_136] : memref<32x512xf32, #tpu.memory_space<hbm>> -> memref<1x512xf32, #tpu.memory_space<hbm>>
      %dma_wait3A_138 = tpu.memref_squeeze %dma_wait3A_137 : memref<1x512xf32, #tpu.memory_space<hbm>> -> memref<512xf32, #tpu.memory_space<hbm>>
      tpu.wait_dma2 semaphore(%run_scoped3A : memref<!tpu.dma_semaphore, #tpu.memory_space<semaphore_mem>>) src(%arg15 : memref<512xf32, #tpu.memory_space<vmem>>) dst(%dma_wait3A_138 : memref<512xf32, #tpu.memory_space<hbm>>)
      tpu.yield
    }) : () -> ()
    return
  }
}

module attributes {stable_mosaic.version = 14 : i64} {
  func.func @body(%arg0: memref<32x512xf32, #tpu.memory_space<vmem>>, %arg1: memref<512xf32, #tpu.memory_space<vmem>>) attributes {dimension_semantics = [], scalar_prefetch = 0 : i64, scratch_operands = 0 : i64, tpu.core_type = #tpu.core_type<tc>} {
    %get3A = arith.constant 0 : index
    %get3A_0 = arith.constant 0 : index
    %get3A_1 = vector.load %arg0[%get3A, %get3A_0] : memref<32x512xf32, #tpu.memory_space<vmem>>, vector<32x512xf32>
    %reduce_sum3A = arith.constant dense<0.000000e+00> : vector<512xf32>
    %reduce_sum3A_2 = vector.multi_reduction <add>, %get3A_1, %reduce_sum3A [0] : vector<32x512xf32> to vector<512xf32>
    %swap3A = arith.constant 0 : index
    %swap3A_3 = vector.load %arg1[%swap3A] : memref<512xf32, #tpu.memory_space<vmem>>, vector<512xf32>
    tpu.vector_store %arg1[%swap3A], %reduce_sum3A_2 {strides = array<i32>} : memref<512xf32, #tpu.memory_space<vmem>>, vector<512xf32>,
    return
  }
}

</mosaic_0001>

<sc_bundles>
// kernel: kernel.4.cloned.1.call-start
scs
__scs_entry_jumppad:
0x0: {  	(pc) =	sbr.rel $0x88, $3  }
0x1: {  	(tag) =	ssettag $0x0;
	lr =	simm.s32 $0x1  }
0x2: {  	[smem:$0x3F9C] =	sst lr;
	_ =	strace $0xD0000000  }
0x3: {  	_ = 	snop  }
0x4: {  	_ = 	snop  }
0x5: {  	_ = 	snop  }
0x6: {  	_ = 	snop  }
0x7: {  	_ = 	snop  }
__scs_overlays_trampoline_lowered:
0x8: {  	[smem:$0x3FAB] =	sst s0  }
0x9: {  	[smem:$0x3FAC] =	sst s1  }
0xa: {  	[smem:$0x3FAD] =	sst s2  }
0xb: {  	[smem:$0x3FAE] =	sst s3  }
0xc: {  	[smem:$0x3FAF] =	sst s4  }
0xd: {  	[smem:$0x3FB0] =	sst s5  }
0xe: {  	[smem:$0x3FB1] =	sst s6  }
0xf: {  	[smem:$0x3FB2] =	sst s7  }
0x10: {  	[smem:$0x3FB3] =	sst s8  }
0x11: {  	[smem:$0x3FB4] =	sst s9;
	s0 =	simm.s32 @!p0 $0x0  }
0x12: {  	s1 =	sld [smem:$0x3F9A];
	s0 =	simm.s32 @p0 $0x1  }
0x13: {  	[smem:$0x3FB5] =	sst s0;
	s0 =	simm.s32 @!p1 $0x0  }
0x14: {  	s2 =	sld [smem:$0x3F99];
	s0 =	simm.s32 @p1 $0x1  }
0x15: {  	[smem:$0x3FB6] =	sst s0;
	s0 =	simm.s32 @!p2 $0x0  }
0x16: {  	s3 =	sld [smem:$0x3FDB];
	s0 =	simm.s32 @p2 $0x1  }
0x17: {  	s4 =	simm.s32 $0x1BF5;
	[smem:$0x3FB8] =	sst s0  }
0x18: {  	s0 =	sld [smem:$0x3F9B];
	_ =	swait.ge [sflag:s4], $0x0  }
0x19: {  	s7 =	sld [smem:$0x3F9C]  }
0x1a: {  	s8 =	sadd.s32 $0xFFFFE003, lr  }
0x1b: {  	s9 =	sadd.s32 $0xFFFFFEF7, lr;
	s5 =	simm.s32 $0xFFFFFFFF;
	p2 =	slt.u32 s8, $0xFFFFF086  }
0x1c: {  	p1 =	slt.u32 s9, $0xF7A;
	s5 =	simm.s32 @!p2 $0x0  }
0x1d: {  	s5 =	simm.s32 @p1 $0x1;
	p0 =	seq.s32 s7, s2  }
0x1e: {  	s7 =	smul.u32 @!p0 $0xF7A, s2;
	p2 =	seq.s32 @!p0 s5, $0x0  }
0x1f: {  	s9 =	smul.u32 $0xF7A, s1;
	s8 =	simm.s32 @!p0 $0x1BF5;
	p2 =	por !p2, p0  }
0x20: {  	[sflag:s8] =	ssyncset.s32 @!p0 $0xFFFFF086;
	s6 =	sadd.s32 @!p0 s3, s7;
	s7 =	simm.s32 @!p0 $0x108  }
0x21: {  	s3 =	sadd.s32 s3, s9;
	s6 =	sadd.s32 @!p0 $0x88, s6;
	s7 =	simm.s32 @p2 $0x1082  }
0x22: {  	[simem:s7], [sflag:s8] =	dma.local @!p0 [hbm:s6], $0xF7A  }
0x23: {  	s9 =	sor.u32 $0xD0000000, s2;
	s6 =	simm.s32 $0x108;
	_ =	swait.ge @!p0 [sflag:s8], $0x0  }
0x24: {  	s3 =	sadd.s32 $0x88, s3;
	s6 =	simm.s32 @!p1 $0x1082;
	[sflag:s4] =	ssyncset.s32 $0xFFFFF086  }
0x25: {  	[simem:s6], [sflag:s4] =	dma.local [hbm:s3], $0xF7A  }
0x26: {  	[smem:$0x3F9C] =	sst s1;
	(tag) =	ssettag s2;
	_ =	strace s9  }
0x27: {  	s1 =	sld [smem:$0x3FAC]  }
0x28: {  	s2 =	sld [smem:$0x3FAD]  }
0x29: {  	s4 =	sld [smem:$0x3FAF]  }
0x2a: {  	p0 =	seq.s32 s5, $0x0;
	s5 =	sld [smem:$0x3FB0]  }
0x2b: {  	s6 =	sld [smem:$0x3FB1]  }
0x2c: {  	s7 =	sld [smem:$0x3FB2]  }
0x2d: {  	s3 =	simm.s32 $0x108;
	s8 =	sld [smem:$0x3FB3]  }
0x2e: {  	s3 =	simm.s32 @!p0 $0x1082;
	s9 =	sld [smem:$0x3FB4]  }
0x2f: {  	lr =	sadd.s32 s0, s3;
	s0 =	sld [smem:$0x3FAB]  }
0x30: {  	s3 =	sld [smem:$0x3FAE]  }
0x31: {  	[smem:$0x3FB7] =	sst s10  }
0x32: {  	s10 =	sld [smem:$0x3FB5];
	_ =	sdelay $0x3  }
0x33: {  	p0 =	seq.s32 s10, $0x1;
	s10 =	sld [smem:$0x3FB7];
	_ =	sdelay $0x3  }
0x34: {  	[smem:$0x3FB7] =	sst s10  }
0x35: {  	s10 =	sld [smem:$0x3FB6];
	_ =	sdelay $0x3  }
0x36: {  	p1 =	seq.s32 s10, $0x1;
	s10 =	sld [smem:$0x3FB7];
	_ =	sdelay $0x3  }
0x37: {  	[smem:$0x3FB7] =	sst s10  }
0x38: {  	s10 =	sld [smem:$0x3FB8]  }
0x39: {  	_ = 	snop;
	(pc) =	sbr.ind lr, $3  }
0x3a: {  	_ = 	snop  }
0x3b: {  	_ = 	snop  }
0x3c: {  	p2 =	seq.s32 s10, $0x1;
	s10 =	sld [smem:$0x3FB7]  }
0x3d: {  	_ =	shalt  }
0x3e: {  	_ =	shalt  }
0x3f: {  	_ =	shalt  }
0x40: {  	_ =	shalt  }
0x41: {  	_ =	shalt  }
0x42: {  	_ =	shalt  }
0x43: {  	_ =	shalt  }
0x44: {  	_ =	shalt  }
0x45: {  	_ =	shalt  }
0x46: {  	_ =	shalt  }
0x47: {  	_ =	shalt  }
0x48: {  	_ =	shalt  }
0x49: {  	_ =	shalt  }
0x4a: {  	_ =	shalt  }
0x4b: {  	_ =	shalt  }
0x4c: {  	_ =	shalt  }
0x4d: {  	_ =	shalt  }
0x4e: {  	_ =	shalt  }
0x4f: {  	_ =	shalt  }
0x50: {  	_ =	shalt  }
0x51: {  	_ =	shalt  }
0x52: {  	_ =	shalt  }
0x53: {  	_ =	shalt  }
0x54: {  	_ =	shalt  }
0x55: {  	_ =	shalt  }
0x56: {  	_ =	shalt  }
0x57: {  	_ =	shalt  }
0x58: {  	_ =	shalt  }
0x59: {  	_ =	shalt  }
0x5a: {  	_ =	shalt  }
0x5b: {  	_ =	shalt  }
0x5c: {  	_ =	shalt  }
0x5d: {  	_ =	shalt  }
0x5e: {  	_ =	shalt  }
0x5f: {  	_ =	shalt  }
0x60: {  	_ =	shalt  }
0x61: {  	_ =	shalt  }
0x62: {  	_ =	shalt  }
0x63: {  	_ =	shalt  }
0x64: {  	_ =	shalt  }
0x65: {  	_ =	shalt  }
0x66: {  	_ =	shalt  }
0x67: {  	_ =	shalt  }
0x68: {  	_ =	shalt  }
0x69: {  	_ =	shalt  }
0x6a: {  	_ =	shalt  }
0x6b: {  	_ =	shalt  }
0x6c: {  	_ =	shalt  }
0x6d: {  	_ =	shalt  }
0x6e: {  	_ =	shalt  }
0x6f: {  	_ =	shalt  }
0x70: {  	_ =	shalt  }
0x71: {  	_ =	shalt  }
0x72: {  	_ =	shalt  }
0x73: {  	_ =	shalt  }
0x74: {  	_ =	shalt  }
0x75: {  	_ =	shalt  }
0x76: {  	_ =	shalt  }
0x77: {  	_ =	shalt  }
0x78: {  	_ =	shalt  }
0x79: {  	_ =	shalt  }
0x7a: {  	_ =	shalt  }
0x7b: {  	_ =	shalt  }
0x7c: {  	_ =	shalt  }
0x7d: {  	_ =	shalt  }
0x7e: {  	_ =	shalt  }
0x7f: {  	_ =	shalt  }
0x80: {  	_ =	shalt  }
0x81: {  	_ =	shalt  }
0x82: {  	_ =	shalt  }
0x83: {  	_ =	shalt  }
0x84: {  	_ =	shalt  }
0x85: {  	_ =	shalt  }
0x86: {  	_ =	shalt  }
0x87: {  	_ =	shalt  }
.Lfunc_end0:
.L_simem_size_0:
called_computation_lowered:
.L_overlay_start_0:
0x88: {  	s2 =	sld [smem:$0x3FD9]  }
0x89: {  	s3 =	sld [smem:$0x3FFE];
	_ =	sdelay $0x1  }
0x8a: {  	s1 =	srdreg.scid  }
0x8b: {  	s0 =	sand.u32 $0x1, s1  }
0x8c: {  	s17 =	sshll.u32 s0, $0xA;
	s2 =	sadd.s32 s3, s2  }
0x8d: {  	s2 =	sadd.s32 s2, s17  }
0x8e: {  	[smem:$0x3FC3] =	sst s2  }
0x8f: {  	_ = 	snop  }
0x90: {  	s2 =	sld [smem:$0x3FC9]  }
0x91: {  	s18 =	sld [smem:$0x3FC8]  }
0x92: {  	s4 =	sld [smem:$0x3FC7]  }
0x93: {  	s5 =	sld [smem:$0x3FC6]  }
0x94: {  	s6 =	sld [smem:$0x3FC5];
	(tm) =	ssettm $0x1  }
0x95: {  	s7 =	sld [smem:$0x3FFB];
	_ =	sdelay $0x3  }
0x96: {  	_ =	strace s7  }
0x97: {  	s7 =	sld [smem:$0x3FFC];
	_ =	sdelay $0x3  }
0x98: {  	_ =	strace s7  }
0x99: {  	s7 =	sld [smem:$0x3FFD];
	_ =	sdelay $0x3  }
0x9a: {  	_ =	strace s7  }
0x9b: {  	_ =	strace $0x8FFFFFFF  }
0x9c: {  	s19 =	sld [smem:$0x3FDB];
	_ =	sdelay $0x1  }
0x9d: {  	s8 =	simm.s32 $_scs_section_size  }
0x9e: {  	s9 =	simm.s32 $_size__tile_overlayer_lowered;
	s10 =	simm.s32 $_tile_overlayer_lowered  }
0x9f: {  	s22 =	simm.s32 $0x1BFF;
	s21 =	sshll.u32 s10, $0x1;
	s7 =	sadd.s32 s8, s19  }
0xa0: {  	s11 =	simm.s32 $0x0;
	s20 =	sshll.u32 s9, $0x1;
	s9 =	sadd.s32 s21, s7  }
0xa1: {  	[timem:s11], [sflag:s22] =	dma.local [hbm:s9], s20  }
0xa2: {  	_ =	swait.ge [sflag:s22], s20  }
0xa3: {  	s8 =	ssub.s32 $0x0, s20;
	[sflag:s22] =	ssyncset.done $0x0  }
0xa4: {  	[sflag:s22] =	ssyncadd.s32 s8;
	_ =	sdelay $0x1  }
0xa5: {  	s23 =	simm.s32 $0x1B8B  }
0xa6: {  	_ =	swait.ge [sflag:s23], $0x1  }
0xa7: {  	[sflag:s23] =	ssyncset.done $0x0  }
0xa8: {  	s25 =	simm.s32 $0x1B8E;
	s24 =	sld [smem:$0x3FFE];
	[sflag:s23] =	ssyncadd.s32 $0xFFFFFFFF  }
0xa9: {  	s26 =	simm.s32 $execute0_lowered;
	[smem:$0x3FD2] =	sst s25  }
0xaa: {  	s9 =	sshll.u32 s26, $0x1;
	_ =	strace $0x80000046;
	[dreg:$0x1] =	wrdreg $0xFFFFFFFF  }
0xab: {  	s28 =	simm.s32 $_size_execute0_lowered;
	s7 =	sadd.s32 s7, s9;
	[dreg:$0x0] =	wrdreg $0x0  }
0xac: {  	s9 =	sshll.u32 s28, $0x1;
	[dreg:$0x2] =	wrdreg s7  }
0xad: {  	[dreg:$0x3] =	wrdreg s9  }
0xae: {  	[dreg:$0x4] =	wrdreg $0xC0  }
0xaf: {  	_ =	task [dreg:s11], $0x5FFFF  }
0xb0: {  	[dreg:$0x1] =	wrdreg $0xFFFFFFFF  }
0xb1: {  	[dreg:$0x0] =	wrdreg $0x60  }
0xb2: {  	[dreg:$0x2] =	wrdreg s2  }
0xb3: {  	[dreg:$0x3] =	wrdreg s5  }
0xb4: {  	[dreg:$0x4] =	wrdreg s6  }
0xb5: {  	[dreg:$0x5] =	wrdreg s18  }
0xb6: {  	[dreg:$0x6] =	wrdreg s4  }
0xb7: {  	[dreg:$0x7] =	wrdreg s24  }
0xb8: {  	[dreg:$0x8] =	wrdreg $0x9  }
0xb9: {  	_ =	task.clear_ibuf [dreg:s11], $0x9FFFF;
	_ =	strace $0x90000046  }
0xba: {  	s29 =	simm.s32 $0x9;
	_ =	strace $0x80000048  }
0xbb: {  	_ =	swait.ge [sflag:s29], $0x1  }
0xbc: {  	[sflag:s29] =	ssyncadd.s32 $0xFFFFFFFF  }
0xbd: {  	_ =	strace $0x90000048  }
0xbe: {  	_ =	sfence  }
0xbf: {  	s30 =	sld [smem:$0x0];
	_ =	sdelay $0x2  }
0xc0: {  	s31 =	sshll.u32 s1, $0xD;
	s1 =	sshrl.u32 s1, $0x2  }
0xc1: {  	s3 =	sand.u32 $0x4000, s31;
	s1 =	sadd.s32 s1, s30  }
0xc2: {  	s0 =	sor.u32 s3, s0;
	s1 =	sshll.u32 s1, $0x11  }
0xc3: {  	s0 =	sor.u32 s1, s0  }
0xc4: {  	s0 =	sadd.s32 $0x8F2B, s0  }
0xc5: {  	[sflag:s0] =	ssyncadd.remote.s32 $0x1  }
0xc6: {  	_ =	sfence.sel $0xFFFF  }
0xc7: {  	[dreg:$0x0] =	wrdreg $0xFFFFFFFF;
	(pc) =	sbr.abs _section_cstart, $3  }
0xc8: {  	[dreg:$0x1] =	wrdreg $0xFFFFFFFF  }
0xc9: {  	_ =	task.clear_ibuf [dreg:s11], $0x2FFFF;
	_ =	strace $0x9FFFFFFF  }
0xca: {  	(tm) =	ssettm $0x7FFFFFFF  }
0xcb: {  	_ =	shalt  }
tec
execute0_lowered:
.L_overlay_start_1:
0x0: {  	(tag) =	ssettag $0x1  }
0x1: {  	s0 =	rddreg [dreg:$0x0]  }
0x2: {  	s1 =	rddreg [dreg:$0x1]  }
0x3: {  	s3 =	rddreg [dreg:$0x2]  }
0x4: {  	s20 =	rddreg [dreg:$0x3]  }
0x5: {  	s2 =	srdreg.scid;
	s22 =	rddreg [dreg:$0x4]  }
0x6: {  	s12 =	stileid.u32;
	s7 =	rddreg [dreg:$0x5];
	s28 =	simm.s32 $0x2600  }
0x7: {  	s29 =	simm.s32 $0x3;
	s30 =	simm.s32 $0x1;
	s2 =	sand.u32 $0x1, s2  }
0x8: {  	s31 =	simm.s32 $0x2E00;
	s8 =	sshll.u32 s12, $0x4;
	s4 =	sshll.u32 s2, $0x4  }
0x9: {  	s8 =	sand.u32 $0x70, s8;
	s23 =	ssub.s32 $0x2, s2;
	s2 =	smul.u32 $0xC400, s2  }
0xa: {  	s6 =	sor.u32 s12, s4;
	s4 =	simm.s32 $0x0;
	s12 =	smul.u32 $0xC40, s12  }
0xb: {  	s10 =	sshrl.u32 s23, $0x1;
	s5 =	smul.u32 $0xC40, s6;
	[smem:$0x7FF] =	sst s4  }
0xc: {  	s8 =	sadd.s32 s8, s7;
	s13 =	ssub.s32 s23, s10;
	_ =	strace $0x80000047  }
0xd: {  	s24 =	sadd.s32 s12, s2;
	s15 =	smax.u32 s13, $0x1;
	s9 =	smin.u32 s5, $0x17A60  }
0xe: {  	[dreg:$0xb] =	wrdreg s15;
	s5 =	ssub.s32 s5, s9;
	s9 =	sshrl.u32 s9, $0x3  }
0xf: {  	p0 =	slt.s32 s5, $0xC40;
	s23 =	sadd.s32 s0, s9;
	s1 =	sadd.s32 s1, s9  }
0x10: {  	s0 =	smax.u32 s24, $0x17A60;
	s26 =	sadd.s32 s3, s9;
	s9 =	sshll.u32 s6, $0x6  }
0x11: {  	s5 =	simm.s32 @!p0 $0xC40;
	s3 =	sadd.s32 $0xFFFE85A0, s0;
	s0 =	ssub.s32 $0x17A60, s0  }
0x12: {  	[dreg:$0x8] =	wrdreg s1;
	s11 =	ssub.s32 $0x0, s5;
	s0 =	sshrl.u32 s0, $0x4  }
0x13: {  	[dreg:$0x9] =	wrdreg s26;
	s14 =	sand.u32 $0x20, s11;
	s0 =	sand.u32 $0x2, s0  }
0x14: {  	s11 =	smin.u32 s3, $0xC40;
	s7 =	sadd.s32 s5, s14;
	s0 =	smax.u32 s0, $0x1  }
0x15: {  	s2 =	ssub.s32 $0x0, s11;
	s18 =	sadd.s32 $0xC80, s11;
	[dreg:$0xc] =	wrdreg s0  }
0x16: {  	s17 =	sshll.u32 s11, $0x2;
	p0 =	seq.s32 s14, $0x0;
	[dreg:$0xd] =	wrdreg s18  }
0x17: {  	s25 =	ssub.s32 $0xC4F, s7;
	s2 =	sshrl.u32 s2, $0x5;
	[dreg:$0x7] =	wrdreg s7  }
0x18: {  	p1 =	sgt.s32 s7, $0xC0F;
	s1 =	sand.u32 $0xFFFFFFC0, s25;
	s12 =	sand.u32 $0x1, s2  }
0x19: {  	s10 =	sadd.s32 s7, s1;
	s1 =	sand.u32 $0x600, s9;
	s16 =	sshll.u32 s12, $0x5  }
0x1a: {  	s1 =	sadd.s32 s1, s8;
	s0 =	sadd.s32 s16, s11;
	s16 =	sadd.s32 $0x1900, s11  }
0x1b: {  	p2 =	sgt.s32 s10, $0xC3F;
	s1 =	sadd.s32 $0x600, s1;
	s19 =	ssub.s32 $0xC4F, s0  }
0x1c: {  	[dreg:$0xa] =	wrdreg s1;
	s1 =	sshll.u32 s12, $0x7;
	s2 =	sand.u32 $0xFFFFFFC0, s19  }
0x1d: {  	s1 =	sadd.s32 s17, s1;
	s0 =	sadd.s32 s2, s0;
	s2 =	simm.s32 $0x4  }
0x1e: {  	s21 =	sadd.s32 $0x80, s1;
	s1 =	sadd.s32 $0xC0, s1;
	s24 =	sshll.u32 s0, $0x2  }
0x1f: {  	s0 =	sadd.s32 $0xFFFFFFF0, s0;
	s3 =	sshrl.u32 s21, $0x2;
	s13 =	sshrl.u32 s1, $0x2  }
.Ltmp0:
0x20: {  	[dreg:$0xe] =	wrdreg s0;
	s21 =	sshra.s32 s24, $0x2;
	(pc) =	sbr.rel .LBB2_1-.Ltmp0, $4  }
0x21: {  	s0 =	simm.s32 $0x5;
	s1 =	simm.s32 $0x2680;
	s24 =	simm.s32 $0x0  }
0x22: {  	s17 =	sadd.s32 $0xC80, s3;
	s15 =	sadd.s32 $0x1900, s13;
	s25 =	sadd.s32 $0x1900, s21  }
0x23: {  	v0 =	vlaneseq.u32;
	s26 =	sadd.s32 $0xC80, s21;
	s3 =	simm.s32 $0x2;
	[dreg:$0xf] =	wrdreg s25  }
0x24: {  	v1 =	vimm.f32 $0.0e+00;
	v2 =	vmul.u32 $0x201, v0;
	[dreg:$0x10] =	wrdreg s26;
	s26 =	simm.s32 $0x2580;
	s25 =	simm.s32 $0x6  }
.LBB2_20:
0x25: {  	s8 =	smov.u32 s9  }
.LBB2_34:
0x26: {  	_ =	sdelay $0x3  }
0x27: {  	v14 =	vld.idx.msk [tilespmem:v14+s31+$0x0], $0xffff  }
0x28: {  	v16 =	vld.idx.msk [tilespmem:v16+s31+$0x0], $0xffff  }
0x29: {  	v17 =	vld.idx.msk [tilespmem:v17+s31+$0x0], $0xffff  }
0x2a: {  	v15 =	vld.idx.msk [tilespmem:v15+s31+$0x0], $0xffff  }
0x2b: {  	v18 =	vld.idx.msk [tilespmem:v18+s31+$0x0], $0xffff;
	_ =	sdelay $0x1  }
0x2c: {  	v10 =	vadd.f32 v12, v10;
	v3 =	vadd.f32 v3, v9  }
0x2d: {  	v4 =	vadd.f32 v5, v4;
	v56 =	vadd.f32 v7, v6  }
0x2e: {  	v57 =	vadd.f32 v11, v8;
	v58 =	vadd.f32 v14, v13  }
0x2f: {  	v59 =	vadd.f32 v17, v16;
	v60 =	vadd.f32 v18, v15  }
0x30: {  	v3 =	vadd.f32 v3, v10;
	v4 =	vadd.f32 v56, v4  }
0x31: {  	v61 =	vadd.f32 v58, v57;
	v62 =	vadd.f32 v60, v59;
	_ =	sdelay $0x1  }
0x32: {  	s6 =	sadd.s32 @p4 $0x10, s8;
	s8 =	smov.u32 s9;
	v3 =	vadd.f32 v4, v3;
	v63 =	vadd.f32 v62, v61  }
0x33: {  	v5 =	vadd.f32 @p3 v21, v19;
	s8 =	smov.u32 @p4 s6  }
0x34: {  	s6 =	sadd.s32 @p3 $0x10, s8;
	v3 =	vadd.f32 v63, v3  }
0x35: {  	[tilespmem:s8+$0x0] =	vst @p3 v5;
	s9 =	smov.u32 @p3 s6  }
0x36: {  	[tilespmem:s9+$0x0] =	vst v3  }
.LBB2_35:
0x37: {  	s6 =	rddreg [dreg:$0xa]  }
0x38: {  	s7 =	simm.s32 $0x80;
	s8 =	simm.s32 $0x400;
	s9 =	simm.s32 $0x4E80  }
0x39: {  	[hbm4b:s6+s7] =	stream.strided.scatter [tilespmem:s9], [sflag:$0x6], $0x200, s8, s7, $0x38;
	[tilespmem:$0x5080] =	vst v63  }
0x3a: {  	_ =	swait.ge [sflag:s25], $0x200  }
0x3b: {  	s24 =	sadd.s32 $0x1, s24;
	s19 =	rddreg [dreg:$0xb]  }
0x3c: {  	p3 =	seq.s32 s24, s19  }
.Ltmp1:
0x3d: {  	_ = 	snop;
	(pc) =	sbr.rel @p3 .LBB2_36-.Ltmp1, $3  }
0x3e: {  	_ =	sdelay $0x1  }
0x3f: {  	[sflag:s25] =	ssyncset.done $0x0  }
0x40: {  	[sflag:s25] =	ssyncadd.s32 $0xFFFFFE00  }
.LBB2_1:
0x41: {  	[tilespmem:s4], [sflag:$0x1] =	stream.linear.gather [hbm4b:s23+s4], $0xC40, $0x38;
	[tilespmem:$0x5080] =	vst v63  }
0x42: {  	s6 =	rddreg [dreg:$0x8];
	s7 =	simm.s32 $0xC80  }
0x43: {  	[tilespmem:s7], [sflag:$0x2] =	stream.linear.gather [hbm4b:s6+s4], $0xC40, $0x38;
	[tilespmem:$0x5080] =	vst v63  }
0x44: {  	s18 =	rddreg [dreg:$0x9];
	s19 =	simm.s32 $0x1900  }
0x45: {  	[tilespmem:s19], [sflag:$0x3] =	stream.linear.gather [hbm4b:s18+s4], $0xC40, $0x38;
	[tilespmem:$0x5080] =	vst v63  }
0x46: {  	_ = 	snop  }
0x47: {  	[tilespmem:s26], [sflag:$0x4] =	stream.linear.gather [hbm4b:s20+s4], $0x80, $0x38;
	[tilespmem:$0x5080] =	vst v63  }
0x48: {  	s6 =	simm.s32 $0x4EA0  }
0x49: {  	[tilespmem:s28], [sflag:$0x5] =	stream.linear.gather [hbm4b:s22+s4], $0x80, $0x38;
	[tilespmem:$0x5080] =	vst v63  }
0x4a: {  	[tilespmem:s6+$0xFFFFFFE0] =	vst v1  }
0x4b: {  	[tilespmem:s6+$0x10] =	vst v1  }
0x4c: {  	s8 =	simm.s32 $0x0;
	[tilespmem:s6+$0x0] =	vst v1  }
.LBB2_2:
0x4d: {  	s8 =	sadd.s32 $0x40, s8  }
0x4e: {  	[tilespmem:s6+$0xFFFFFFF0] =	vst v1;
	s6 =	sadd.s32 $0x40, s6;
	p3 =	slt.u32 s8, $0x1C0  }
.Ltmp2:
0x4f: {  	[tilespmem:s6+$0xFFFFFFE0] =	vst v1;
	(pc) =	sbr.rel @p3 .LBB2_2-.Ltmp2, $3  }
0x50: {  	_ =	sdelay $0x1  }
0x51: {  	[tilespmem:s6+$0x10] =	vst v1  }
0x52: {  	[tilespmem:s6+$0x0] =	vst v1  }
0x53: {  	[tilespmem:s6+$0xFFFFFFF0] =	vst v1  }
0x54: {  	_ =	swait.ge [sflag:s29], $0xC40  }
0x55: {  	[sflag:s29] =	ssyncset.done $0x0  }
0x56: {  	[sflag:s29] =	ssyncadd.s32 $0xFFFFF3C0  }
0x57: {  	v3 =	vld [tilespmem:s5+$0x1900];
	_ =	sdelay $0x1  }
0x58: {  	v4 =	vld [tilespmem:$0x2530];
	_ =	sdelay $0x2  }
0x59: {  	v3 =	vxor.u32 $0x80000000, v3  }
0x5a: {  	(xrf0) =	vmin.scan.msk.u32 $0xffff, v3  }
0x5b: {  	v3 =	vxor.u32 $0x80000000, v4  }
0x5c: {  	(xrf0) =	vmax.scan.msk.u32 $0xffff, v3;
	_ =	sdelay $0x3  }
0x5d: {  	v3, _, _ =	vpop (xrf0)  }
0x5e: {  	(v2sf) =	vpush v3, $0xF  }
0x5f: {  	v3, _, _ =	vpop (xrf0)  }
0x60: {  	(v2sf) =	vpush v3, $0xF;
	_ =	sdelay $0xc  }
0x61: {  	s19 =	spop (v2sf)  }
0x62: {  	s8 =	sxor.u32 $0x80000000, s19;
	p4 =	sgt.s32 s19, $0xFFFFFFFF;
	s6 =	sand.u32 $0xF, s19  }
0x63: {  	s9 =	spop (v2sf);
	p3 =	slt.s32 s8, $0x1;
	p5 =	sne.s32 s6, $0x0  }
0x64: {  	s7 =	sxor.u32 $0x80000000, s9;
	s12 =	sshra.s32 s8, $0x1F;
	p3 =	por p4, p3  }
0x65: {  	p6 =	slt.s32 s7, $0x1;
	s14 =	sshrl.u32 s12, $0x1C;
	s18 =	sshra.s32 s7, $0x1F  }
0x66: {  	p3 =	por !p5, !p3;
	p5 =	sgt.s32 s9, $0xFFFFFFFF;
	s9 =	sand.u32 $0xF, s9  }
0x67: {  	s12 =	simm.s32 $0x1;
	p4 =	por p5, p6;
	p6 =	sne.s32 s9, $0x0  }
0x68: {  	s8 =	sadd.s32 s14, s8;
	s19 =	sshrl.u32 s18, $0x1C;
	p4 =	por !p6, !p4  }
0x69: {  	s6 =	sadd.s32 s19, s7;
	s9 =	simm.s32 $0x1;
	p4 =	por !p4, !p4  }
0x6a: {  	p3 =	por !p3, !p3;
	s6 =	sshrl.u32 s6, $0x4;
	s9 =	simm.s32 @!p4 $0x0  }
0x6b: {  	s8 =	sshra.s32 s8, $0x4;
	s12 =	simm.s32 @!p3 $0x0;
	s6 =	ssub.s32 s6, s9  }
0x6c: {  	s9 =	ssub.s32 s8, s12;
	s6 =	sshll.u32 s6, $0x4  }
0x6d: {  	s8 =	sshll.u32 s9, $0x4;
	s6 =	sadd.s32 $0x10, s6  }
0x6e: {  	p3 =	sge.s32 s8, s6  }
.Ltmp3:
0x6f: {  	_ = 	snop;
	(pc) =	sbr.rel @p3 .LBB2_4-.Ltmp3, $1  }
0x70: {  	_ =	sdelay $0x3  }
0x71: {  	v3 =	vor.u32 s8, v0;
	s12 =	sadd.s32 $0x201, s8  }
0x72: {  	s14 =	sadd.s32 $0x402, s8;
	v4 =	vadd.s32 s12, v0  }
0x73: {  	s18 =	sadd.s32 $0x603, s8;
	v5 =	vadd.s32 s14, v0  }
0x74: {  	s19 =	sadd.s32 $0x804, s8;
	v6 =	vadd.s32 s18, v0  }
0x75: {  	s7 =	sadd.s32 $0xA05, s8;
	v7 =	vadd.s32 s19, v0  }
0x76: {  	s14 =	sadd.s32 $0xC06, s8;
	[tilespmem:v3+s31+$0x0] =	vst.idx.msk $0xffff, v1;
	v3 =	vadd.s32 s7, v0  }
0x77: {  	s18 =	sadd.s32 $0xE07, s8;
	[tilespmem:v4+s31+$0x0] =	vst.idx.msk $0xffff, v1;
	v4 =	vadd.s32 s14, v0  }
0x78: {  	s19 =	sadd.s32 $0x1008, s8;
	[tilespmem:v5+s31+$0x0] =	vst.idx.msk $0xffff, v1;
	v5 =	vadd.s32 s18, v0  }
0x79: {  	s7 =	sadd.s32 $0x1209, s8;
	[tilespmem:v6+s31+$0x0] =	vst.idx.msk $0xffff, v1;
	v6 =	vadd.s32 s19, v0  }
0x7a: {  	s12 =	sadd.s32 $0x10, s8;
	s14 =	sadd.s32 $0x140A, s8;
	[tilespmem:v7+s31+$0x0] =	vst.idx.msk $0xffff, v1;
	v7 =	vadd.s32 s7, v0  }
0x7b: {  	p4 =	slt.s32 s12, s6;
	v8 =	vadd.s32 s14, v0;
	s14 =	sadd.s32 $0x160B, s8;
	[tilespmem:v3+s31+$0x0] =	vst.idx.msk $0xffff, v1  }
.Ltmp4:
0x7c: {  	s18 =	sadd.s32 $0x180C, s8;
	v3 =	vadd.s32 s14, v0;
	[tilespmem:v4+s31+$0x0] =	vst.idx.msk $0xffff, v1;
	(pc) =	sbr.rel @!p4 .LBB2_11-.Ltmp4, $4  }
0x7d: {  	s19 =	sadd.s32 $0x1A0D, s8;
	v4 =	vadd.s32 s18, v0;
	[tilespmem:v5+s31+$0x0] =	vst.idx.msk $0xffff, v1  }
0x7e: {  	s18 =	sadd.s32 $0x1C0E, s8;
	v5 =	vadd.s32 s19, v0;
	[tilespmem:v6+s31+$0x0] =	vst.idx.msk $0xffff, v1  }
0x7f: {  	s7 =	sadd.s32 $0x1E0F, s8;
	v6 =	vadd.s32 s18, v0;
	[tilespmem:v7+s31+$0x0] =	vst.idx.msk $0xffff, v1  }
0x80: {  	v7 =	vadd.s32 s7, v0;
	[tilespmem:v8+s31+$0x0] =	vst.idx.msk $0xffff, v1  }
.LBB2_10:
0x81: {  	v8 =	vor.u32 s12, v0;
	s14 =	sadd.s32 $0x201, s12;
	[tilespmem:v3+s31+$0x0] =	vst.idx.msk $0xffff, v1  }
0x82: {  	v3 =	vadd.s32 s14, v0;
	s14 =	sadd.s32 $0x402, s12;
	[tilespmem:v4+s31+$0x0] =	vst.idx.msk $0xffff, v1  }
0x83: {  	v4 =	vadd.s32 s14, v0;
	s14 =	sadd.s32 $0x603, s12;
	[tilespmem:v5+s31+$0x0] =	vst.idx.msk $0xffff, v1  }
0x84: {  	v5 =	vadd.s32 s14, v0;
	s14 =	sadd.s32 $0x804, s12;
	[tilespmem:v6+s31+$0x0] =	vst.idx.msk $0xffff, v1  }
0x85: {  	v6 =	vadd.s32 s14, v0;
	s14 =	sadd.s32 $0xA05, s12;
	[tilespmem:v7+s31+$0x0] =	vst.idx.msk $0xffff, v1  }
0x86: {  	[tilespmem:v8+s31+$0x0] =	vst.idx.msk $0xffff, v1;
	v7 =	vadd.s32 s14, v0;
	s14 =	sadd.s32 $0xC06, s12  }
0x87: {  	[tilespmem:v3+s31+$0x0] =	vst.idx.msk $0xffff, v1;
	v3 =	vadd.s32 s14, v0;
	s14 =	sadd.s32 $0xE07, s12  }
0x88: {  	[tilespmem:v4+s31+$0x0] =	vst.idx.msk $0xffff, v1;
	v4 =	vadd.s32 s14, v0;
	s14 =	sadd.s32 $0x1008, s12  }
0x89: {  	[tilespmem:v5+s31+$0x0] =	vst.idx.msk $0xffff, v1;
	v5 =	vadd.s32 s14, v0;
	s14 =	sadd.s32 $0x1209, s12  }
0x8a: {  	[tilespmem:v6+s31+$0x0] =	vst.idx.msk $0xffff, v1;
	v6 =	vadd.s32 s14, v0;
	s14 =	sadd.s32 $0x140A, s12  }
0x8b: {  	[tilespmem:v7+s31+$0x0] =	vst.idx.msk $0xffff, v1;
	v7 =	vadd.s32 s14, v0;
	s14 =	sadd.s32 $0x160B, s12  }
0x8c: {  	[tilespmem:v3+s31+$0x0] =	vst.idx.msk $0xffff, v1;
	v3 =	vadd.s32 s14, v0;
	s14 =	sadd.s32 $0x180C, s12  }
0x8d: {  	[tilespmem:v4+s31+$0x0] =	vst.idx.msk $0xffff, v1;
	v4 =	vadd.s32 s14, v0;
	s14 =	sadd.s32 $0x1A0D, s12  }
0x8e: {  	[tilespmem:v5+s31+$0x0] =	vst.idx.msk $0xffff, v1;
	v5 =	vadd.s32 s14, v0;
	s14 =	sadd.s32 $0x1C0E, s12  }
0x8f: {  	[tilespmem:v6+s31+$0x0] =	vst.idx.msk $0xffff, v1;
	v6 =	vadd.s32 s14, v0;
	s14 =	sadd.s32 $0x1E0F, s12;
	s12 =	sadd.s32 $0x10, s12  }
0x90: {  	p4 =	slt.s32 s12, s6  }
.Ltmp5:
0x91: {  	_ = 	snop;
	(pc) =	sbr.rel @p4 .LBB2_10-.Ltmp5, $2  }
0x92: {  	_ =	sdelay $0x2  }
0x93: {  	[tilespmem:v7+s31+$0x0] =	vst.idx.msk $0xffff, v1;
	v7 =	vadd.s32 s14, v0  }
.LBB2_11:
0x94: {  	_ =	sdelay $0x3  }
0x95: {  	[tilespmem:v3+s31+$0x0] =	vst.idx.msk $0xffff, v1  }
0x96: {  	[tilespmem:v4+s31+$0x0] =	vst.idx.msk $0xffff, v1  }
0x97: {  	[tilespmem:v5+s31+$0x0] =	vst.idx.msk $0xffff, v1  }
0x98: {  	[tilespmem:v6+s31+$0x0] =	vst.idx.msk $0xffff, v1  }
0x99: {  	[tilespmem:v7+s31+$0x0] =	vst.idx.msk $0xffff, v1  }
.LBB2_4:
0x9a: {  	s12 =	simm.s32 $0x0  }
0x9b: {  	v3 =	vor.u32 s12, v0  }
0x9c: {  	_ =	swait.ge [sflag:s2], $0x80;
	vm0 =	vlt.s32 v3, $0x76  }
0x9d: {  	[sflag:s2] =	ssyncset.done $0x0;
	v3 =	vnsel vm0, $0x76, v3  }
0x9e: {  	[sflag:s2] =	ssyncadd.s32 $0xFFFFFF80  }
0x9f: {  	_ =	swait.ge [sflag:s0], $0x80  }
0xa0: {  	[sflag:s0] =	ssyncset.done $0x0  }
0xa1: {  	[sflag:s0] =	ssyncadd.s32 $0xFFFFFF80  }
0xa2: {  	v4 =	vld.idx.msk [tilespmem:v3+s26+$0x0], $0xffff  }
0xa3: {  	v5 =	vld.idx.msk [tilespmem:v3+s28+$0x0], $0xffff;
	_ =	sdelay $0x1  }
0xa4: {  	v6 =	vshll.u32 v3, $0x4  }
0xa5: {  	v7 =	vor.u32 $0x1, v6  }
0xa6: {  	v8 =	vor.u32 $0x2, v6  }
0xa7: {  	v9 =	vor.u32 $0x3, v6;
	v3 =	vmul.f32 v5, v4  }
0xa8: {  	v4 =	vor.u32 $0x4, v6  }
0xa9: {  	v5 =	vor.u32 $0x5, v6;
	[tilespmem:v6+s1+$0x0] =	vst.idx.msk $0xffff, v3  }
0xaa: {  	v10 =	vor.u32 $0x6, v6;
	[tilespmem:v7+s1+$0x0] =	vst.idx.msk $0xffff, v3  }
0xab: {  	v7 =	vor.u32 $0x7, v6;
	[tilespmem:v8+s1+$0x0] =	vst.idx.msk $0xffff, v3  }
0xac: {  	v8 =	vor.u32 $0x8, v6;
	[tilespmem:v9+s1+$0x0] =	vst.idx.msk $0xffff, v3  }
0xad: {  	v62 =	vor.u32 $0x9, v6;
	[tilespmem:v4+s1+$0x0] =	vst.idx.msk $0xffff, v3  }
0xae: {  	v4 =	vor.u32 $0xA, v6;
	[tilespmem:v5+s1+$0x0] =	vst.idx.msk $0xffff, v3  }
0xaf: {  	v5 =	vor.u32 $0xB, v6;
	[tilespmem:v10+s1+$0x0] =	vst.idx.msk $0xffff, v3  }
0xb0: {  	[tilespmem:v7+s1+$0x0] =	vst.idx.msk $0xffff, v3  }
0xb1: {  	[tilespmem:v8+s1+$0x0] =	vst.idx.msk $0xffff, v3  }
0xb2: {  	v63 =	vor.u32 $0xC, v6;
	[tilespmem:v62+s1+$0x0] =	vst.idx.msk $0xffff, v3  }
0xb3: {  	s19 =	simm.s32 $0x10;
	v7 =	vor.u32 $0xD, v6;
	[tilespmem:v4+s1+$0x0] =	vst.idx.msk $0xffff, v3  }
0xb4: {  	v4 =	vor.u32 s19, v0;
	[tilespmem:v5+s1+$0x0] =	vst.idx.msk $0xffff, v3;
	v5 =	vor.u32 $0xE, v6  }
0xb5: {  	vm15 =	vlt.s32 v4, $0x76;
	v6 =	vor.u32 $0xF, v6  }
0xb6: {  	v4 =	vnsel vm15, $0x76, v4  }
0xb7: {  	[tilespmem:v63+s1+$0x0] =	vst.idx.msk $0xffff, v3  }
0xb8: {  	s12 =	simm.s32 $0x20;
	[tilespmem:v7+s1+$0x0] =	vst.idx.msk $0xffff, v3  }
.LBB2_5:
0xb9: {  	p4 =	sne.s32 s12, $0x70;
	[tilespmem:v5+s1+$0x0] =	vst.idx.msk $0xffff, v3;
	s14 =	smov.u32 s12;
	s12 =	sadd.s32 $0x10, s12  }
0xba: {  	[tilespmem:v6+s1+$0x0] =	vst.idx.msk $0xffff, v3  }
0xbb: {  	v3 =	vld.idx.msk [tilespmem:v4+s26+$0x0], $0xffff  }
0xbc: {  	v5 =	vld.idx.msk [tilespmem:v4+s28+$0x0], $0xffff;
	_ =	sdelay $0x1  }
0xbd: {  	v4 =	vshll.u32 v4, $0x4  }
0xbe: {  	v6 =	vor.u32 $0x1, v4  }
0xbf: {  	v7 =	vor.u32 $0x2, v4  }
0xc0: {  	v8 =	vor.u32 $0x3, v4  }
0xc1: {  	v3 =	vmul.f32 v5, v3;
	v5 =	vor.u32 $0x4, v4  }
0xc2: {  	v9 =	vor.u32 $0x5, v4  }
0xc3: {  	v10 =	vor.u32 $0x6, v4;
	[tilespmem:v4+s1+$0x0] =	vst.idx.msk $0xffff, v3  }
0xc4: {  	[tilespmem:v6+s1+$0x0] =	vst.idx.msk $0xffff, v3;
	v6 =	vor.u32 $0x7, v4  }
0xc5: {  	[tilespmem:v7+s1+$0x0] =	vst.idx.msk $0xffff, v3;
	v7 =	vor.u32 $0x8, v4  }
0xc6: {  	[tilespmem:v8+s1+$0x0] =	vst.idx.msk $0xffff, v3;
	v8 =	vor.u32 $0x9, v4  }
0xc7: {  	v11 =	vor.u32 $0xA, v4;
	[tilespmem:v5+s1+$0x0] =	vst.idx.msk $0xffff, v3  }
0xc8: {  	[tilespmem:v9+s1+$0x0] =	vst.idx.msk $0xffff, v3;
	v9 =	vor.u32 $0xB, v4  }
0xc9: {  	[tilespmem:v10+s1+$0x0] =	vst.idx.msk $0xffff, v3;
	v10 =	vor.u32 $0xC, v4  }
0xca: {  	v12 =	vor.u32 $0xD, v4;
	[tilespmem:v6+s1+$0x0] =	vst.idx.msk $0xffff, v3  }
0xcb: {  	v5 =	vor.u32 $0xE, v4;
	[tilespmem:v7+s1+$0x0] =	vst.idx.msk $0xffff, v3  }
.Ltmp6:
0xcc: {  	v6 =	vor.u32 $0xF, v4;
	v7 =	vor.u32 s14, v0;
	[tilespmem:v8+s1+$0x0] =	vst.idx.msk $0xffff, v3;
	(pc) =	sbr.rel @p4 .LBB2_5-.Ltmp6, $4  }
0xcd: {  	vm0 =	vlt.s32 v7, $0x76;
	[tilespmem:v11+s1+$0x0] =	vst.idx.msk $0xffff, v3  }
0xce: {  	v4 =	vnsel vm0, $0x76, v7;
	[tilespmem:v9+s1+$0x0] =	vst.idx.msk $0xffff, v3  }
0xcf: {  	[tilespmem:v10+s1+$0x0] =	vst.idx.msk $0xffff, v3  }
0xd0: {  	[tilespmem:v12+s1+$0x0] =	vst.idx.msk $0xffff, v3  }
0xd1: {  	_ =	sdelay $0x3  }
0xd2: {  	[tilespmem:v5+s1+$0x0] =	vst.idx.msk $0xffff, v3  }
0xd3: {  	[tilespmem:v6+s1+$0x0] =	vst.idx.msk $0xffff, v3  }
0xd4: {  	v3 =	vld.idx.msk [tilespmem:v4+s26+$0x0], $0xffff  }
0xd5: {  	v5 =	vld.idx.msk [tilespmem:v4+s28+$0x0], $0xffff;
	_ =	sdelay $0x1  }
0xd6: {  	v53 =	vshll.u32 v4, $0x4  }
0xd7: {  	v54 =	vor.u32 $0x1, v53  }
0xd8: {  	v7 =	vor.u32 $0x2, v53  }
0xd9: {  	v8 =	vor.u32 $0x3, v53;
	v3 =	vmul.f32 v5, v3  }
0xda: {  	v55 =	vor.u32 $0x4, v53  }
0xdb: {  	v9 =	vor.u32 $0x5, v53;
	[tilespmem:v53+s1+$0x0] =	vst.idx.msk $0xffff, v3  }
0xdc: {  	v10 =	vor.u32 $0x6, v53;
	[tilespmem:v54+s1+$0x0] =	vst.idx.msk $0xffff, v3  }
0xdd: {  	v56 =	vor.u32 $0x7, v53;
	[tilespmem:v7+s1+$0x0] =	vst.idx.msk $0xffff, v3  }
0xde: {  	v57 =	vor.u32 $0x8, v53;
	[tilespmem:v8+s1+$0x0] =	vst.idx.msk $0xffff, v3  }
0xdf: {  	v58 =	vor.u32 $0x9, v53;
	[tilespmem:v55+s1+$0x0] =	vst.idx.msk $0xffff, v3  }
0xe0: {  	v59 =	vor.u32 $0xA, v53;
	[tilespmem:v9+s1+$0x0] =	vst.idx.msk $0xffff, v3  }
0xe1: {  	v60 =	vor.u32 $0xB, v53;
	[tilespmem:v10+s1+$0x0] =	vst.idx.msk $0xffff, v3  }
0xe2: {  	v61 =	vor.u32 $0xC, v53;
	[tilespmem:v56+s1+$0x0] =	vst.idx.msk $0xffff, v3  }
0xe3: {  	v62 =	vor.u32 $0xD, v53;
	[tilespmem:v57+s1+$0x0] =	vst.idx.msk $0xffff, v3  }
0xe4: {  	v63 =	vor.u32 $0xE, v53;
	[tilespmem:v58+s1+$0x0] =	vst.idx.msk $0xffff, v3  }
0xe5: {  	v4 =	vor.u32 $0xF, v53;
	[tilespmem:v59+s1+$0x0] =	vst.idx.msk $0xffff, v3  }
0xe6: {  	[tilespmem:v60+s1+$0x0] =	vst.idx.msk $0xffff, v3  }
0xe7: {  	[tilespmem:v61+s1+$0x0] =	vst.idx.msk $0xffff, v3  }
0xe8: {  	[tilespmem:v62+s1+$0x0] =	vst.idx.msk $0xffff, v3  }
0xe9: {  	[tilespmem:v63+s1+$0x0] =	vst.idx.msk $0xffff, v3  }
0xea: {  	[tilespmem:v4+s1+$0x0] =	vst.idx.msk $0xffff, v3  }
0xeb: {  	_ =	swait.ge [sflag:s30], $0xC40  }
.Ltmp7:
0xec: {  	[sflag:s30] =	ssyncset.done $0x0;
	(pc) =	sbr.rel @p0 .LBB2_16-.Ltmp7, $4  }
0xed: {  	[sflag:s30] =	ssyncadd.s32 $0xFFFFF3C0  }
0xee: {  	_ =	swait.ge [sflag:s3], $0xC40  }
0xef: {  	[sflag:s3] =	ssyncset.done $0x0  }
0xf0: {  	[sflag:s3] =	ssyncadd.s32 $0xFFFFF3C0  }
0xf1: {  	s7 =	rddreg [dreg:$0xc]  }
0xf2: {  	p5 =	sne.s32 s7, $0x1  }
.Ltmp8:
0xf3: {  	_ = 	snop;
	(pc) =	sbr.rel @!p5 .LBB2_8-.Ltmp8, $3  }
0xf4: {  	_ =	sdelay $0x1  }
0xf5: {  	s14 =	rddreg [dreg:$0xd]  }
0xf6: {  	p4 =	por $0x0, $0x0;
	v3 =	vld [tilespmem:s14+$0x0];
	s12 =	sadd.s32 $0xFFFFFFFF, s7  }
0xf7: {  	_ =	sdelay $0x3  }
0xf8: {  	v3 =	vshll.u32 v3, $0x4  }
0xf9: {  	v3 =	vor.u32 v0, v3;
	_ =	sdelay $0x1  }
0xfa: {  	v4 =	vld [tilespmem:s16+$0x0];
	_ =	sdelay $0x1  }
0xfb: {  	v5 =	vld [tilespmem:s11+$0x0]  }
0xfc: {  	v3 =	vld.idx.msk [tilespmem:v3+s1+$0x0], $0xffff;
	_ =	sdelay $0x1  }
0xfd: {  	v4 =	vadd.s32 v2, v4  }
0xfe: {  	p5 =	sne.s32 s12, $0x1  }
.Ltmp9:
0xff: {  	_ = 	snop;
	(pc) =	sbr.rel @!p5 .LBB2_13-.Ltmp9, $3  }
0x100: {  	v3 =	vmul.f32 v3, v5;
	_ =	sdelay $0x1  }
0x101: {  	s18 =	sadd.s32 $0x10, s14;
	s19 =	sadd.s32 $0xFFFFFFFF, s12;
	[tilespmem:v4+s31+$0x0] =	vst.idx.add.f32.msk $0xffff, v3  }
0x102: {  	p4 =	por $0x1, $0x1;
	s14 =	smov.u32 s16;
	s12 =	smov.u32 s11;
	v3 =	vld [tilespmem:s18+$0x0]  }
.LBB2_14:
0x103: {  	p5 =	sne.s32 s19, $0x1;
	_ =	sdelay $0x3  }
0x104: {  	v3 =	vshll.u32 v3, $0x4  }
0x105: {  	v3 =	vor.u32 v0, v3;
	_ =	sdelay $0x1  }
0x106: {  	s14 =	sadd.s32 $0x10, s14  }
0x107: {  	v4 =	vld [tilespmem:s14+$0x0];
	_ =	sdelay $0x1  }
0x108: {  	s12 =	sadd.s32 $0x10, s12;
	v3 =	vld.idx.msk [tilespmem:v3+s1+$0x0], $0xffff  }
0x109: {  	v5 =	vld [tilespmem:s12+$0x0];
	_ =	sdelay $0x1  }
0x10a: {  	v4 =	vadd.s32 v2, v4;
	_ =	sdelay $0x1  }
.Ltmp10:
0x10b: {  	(pc) =	sbr.rel @p5 .LBB2_14-.Ltmp10, $3  }
0x10c: {  	v3 =	vmul.f32 v3, v5;
	_ =	sdelay $0x1  }
0x10d: {  	s18 =	sadd.s32 $0x10, s18;
	[tilespmem:v4+s31+$0x0] =	vst.idx.add.f32.msk $0xffff, v3  }
0x10e: {  	s19 =	sadd.s32 $0xFFFFFFFF, s19;
	v3 =	vld [tilespmem:s18+$0x0]  }
.LBB2_15:
0x10f: {  	_ =	sdelay $0x3  }
0x110: {  	v3 =	vshll.u32 v3, $0x4  }
0x111: {  	s14 =	sadd.s32 @p4 $0x10, s14;
	s18 =	smov.u32 s16;
	v3 =	vor.u32 v0, v3  }
0x112: {  	s18 =	smov.u32 @p4 s14  }
0x113: {  	s12 =	sadd.s32 @p4 $0x10, s12;
	s14 =	smov.u32 s11;
	v4 =	vld [tilespmem:s18+$0x0]  }
0x114: {  	s14 =	smov.u32 @p4 s12  }
0x115: {  	v5 =	vld [tilespmem:s14+$0x0]  }
0x116: {  	v3 =	vld.idx.msk [tilespmem:v3+s1+$0x0], $0xffff;
	_ =	sdelay $0x1  }
0x117: {  	v4 =	vadd.s32 v2, v4;
	_ =	sdelay $0x2  }
0x118: {  	v3 =	vmul.f32 v3, v5;
	_ =	sdelay $0x1  }
0x119: {  	[tilespmem:v4+s31+$0x0] =	vst.idx.add.f32.msk $0xffff, v3  }
.LBB2_16:
.Ltmp11:
0x11a: {  	(pc) =	sbr.rel @p1 .LBB2_17-.Ltmp11, $1  }
0x11b: {  	_ =	sdelay $0x3  }
0x11c: {  	s7 =	rddreg [dreg:$0x7]  }
0x11d: {  	s14 =	sor.u32 $0x10, s7  }
0x11e: {  	s18 =	sadd.s32 $0x40, s7;
	v3 =	vld [tilespmem:s14+$0xC80]  }
0x11f: {  	p5 =	slt.s32 s18, s10  }
.Ltmp12:
0x120: {  	_ = 	snop;
	(pc) =	sbr.rel @!p5 .LBB2_22-.Ltmp12, $4  }
0x121: {  	v7 =	vld [tilespmem:s17+$0x10]  }
0x122: {  	v5 =	vld [tilespmem:s17+$0x0]  }
0x123: {  	v8 =	vld [tilespmem:s17+$0xFFFFFFE0];
	v3 =	vshll.u32 v3, $0x4  }
0x124: {  	p4 =	por $0x0, $0x0;
	v9 =	vor.u32 v0, v3;
	v3 =	vld [tilespmem:s14+$0x0]  }
0x125: {  	_ = 	snop  }
0x126: {  	v6 =	vld [tilespmem:s14+$0x1900]  }
0x127: {  	v11 =	vld [tilespmem:s15+$0xFFFFFFD0];
	v4 =	vshll.u32 v7, $0x4  }
0x128: {  	v12 =	vld [tilespmem:s13+$0x0];
	v4 =	vor.u32 v0, v4;
	v5 =	vshll.u32 v5, $0x4  }
0x129: {  	v7 =	vshll.u32 v8, $0x4;
	v8 =	vld.idx.msk [tilespmem:v9+s1+$0x0], $0xffff;
	v5 =	vor.u32 v0, v5  }
0x12a: {  	v9 =	vld [tilespmem:s15+$0x0]  }
0x12b: {  	v15 =	vld [tilespmem:s13+$0xFFFFFFF0];
	v7 =	vor.u32 v0, v7  }
0x12c: {  	v16 =	vld [tilespmem:s15+$0xFFFFFFF0]  }
0x12d: {  	v4 =	vld.idx.msk [tilespmem:v4+s1+$0x0], $0xffff  }
0x12e: {  	v6 =	vadd.s32 v2, v6;
	v14 =	vld.idx.msk [tilespmem:v5+s1+$0x0], $0xffff  }
0x12f: {  	v5 =	vadd.s32 v2, v9;
	v9 =	vld [tilespmem:s13+$0xFFFFFFD0]  }
0x130: {  	s12 =	sor.u32 $0x10, s18;
	v13 =	vld.idx.msk [tilespmem:v7+s1+$0x0], $0xffff  }
0x131: {  	s7 =	smov.u32 s23;
	s14 =	sadd.s32 $0x40, s17;
	v10 =	vld [tilespmem:s12+$0xC80];
	v3 =	vmul.f32 v8, v3  }
0x132: {  	s23 =	smov.u32 s22;
	s22 =	smov.u32 s20;
	s20 =	sadd.s32 $0x40, s18;
	v11 =	vadd.s32 v2, v11;
	v7 =	vld [tilespmem:s14+$0x10];
	v4 =	vmul.f32 v4, v12  }
0x133: {  	p5 =	slt.s32 s20, s10;
	[tilespmem:v6+s31+$0x0] =	vst.idx.add.f32.msk $0xffff, v3  }
.Ltmp13:
0x134: {  	[tilespmem:v5+s31+$0x0] =	vst.idx.add.f32.msk $0xffff, v4;
	(pc) =	sbr.rel @!p5 .LBB2_24-.Ltmp13, $4  }
0x135: {  	v3 =	vmul.f32 v13, v9;
	v5 =	vld [tilespmem:s14+$0x0]  }
0x136: {  	v8 =	vld [tilespmem:s14+$0xFFFFFFE0];
	v6 =	vadd.s32 v2, v16;
	v9 =	vshll.u32 v10, $0x4  }
0x137: {  	v9 =	vor.u32 v0, v9;
	[tilespmem:v11+s31+$0x0] =	vst.idx.add.f32.msk $0xffff, v3  }
0x138: {  	p4 =	por $0x1, $0x1;
	s19 =	smov.u32 s15;
	s18 =	smov.u32 s13;
	v4 =	vmul.f32 v14, v15;
	v3 =	vld [tilespmem:s12+$0x0]  }
.LBB2_25:
0x139: {  	v10 =	vld [tilespmem:s12+$0x1900];
	s12 =	sor.u32 $0x10, s20;
	v7 =	vshll.u32 v7, $0x4  }
0x13a: {  	v11 =	vld [tilespmem:s12+$0xC80];
	v5 =	vshll.u32 v5, $0x4;
	v7 =	vor.u32 v0, v7  }
0x13b: {  	v8 =	vshll.u32 v8, $0x4;
	v5 =	vor.u32 v0, v5;
	[tilespmem:v6+s31+$0x0] =	vst.idx.add.f32.msk $0xffff, v4  }
0x13c: {  	s19 =	sadd.s32 $0x40, s19;
	v4 =	vor.u32 v0, v8;
	v6 =	vld.idx.msk [tilespmem:v9+s1+$0x0], $0xffff  }
0x13d: {  	v8 =	vld [tilespmem:s19+$0x0]  }
0x13e: {  	v9 =	vld [tilespmem:s19+$0xFFFFFFD0]  }
0x13f: {  	s18 =	sadd.s32 $0x40, s18;
	v7 =	vld.idx.msk [tilespmem:v7+s1+$0x0], $0xffff  }
0x140: {  	v12 =	vld [tilespmem:s18+$0x0]  }
0x141: {  	v10 =	vadd.s32 v2, v10;
	v4 =	vld.idx.msk [tilespmem:v4+s1+$0x0], $0xffff  }
0x142: {  	v13 =	vld.idx.msk [tilespmem:v5+s1+$0x0], $0xffff;
	v5 =	vadd.s32 v2, v8  }
0x143: {  	v8 =	vld [tilespmem:s18+$0xFFFFFFD0];
	v14 =	vadd.s32 v2, v9  }
0x144: {  	v3 =	vmul.f32 v6, v3;
	v6 =	vld [tilespmem:s18+$0xFFFFFFF0]  }
0x145: {  	v9 =	vld [tilespmem:s19+$0xFFFFFFF0];
	v7 =	vmul.f32 v7, v12  }
0x146: {  	s20 =	sadd.s32 $0x40, s20;
	[tilespmem:v10+s31+$0x0] =	vst.idx.add.f32.msk $0xffff, v3  }
0x147: {  	s14 =	sadd.s32 $0x40, s14;
	p5 =	slt.s32 s20, s10;
	[tilespmem:v5+s31+$0x0] =	vst.idx.add.f32.msk $0xffff, v7  }
.Ltmp14:
0x148: {  	v7 =	vld [tilespmem:s14+$0x10];
	v3 =	vmul.f32 v4, v8;
	(pc) =	sbr.rel @p5 .LBB2_25-.Ltmp14, $4  }
0x149: {  	v5 =	vld [tilespmem:s14+$0x0];
	v4 =	vmul.f32 v13, v6  }
0x14a: {  	v10 =	vshll.u32 v11, $0x4;
	v8 =	vld [tilespmem:s14+$0xFFFFFFE0];
	v6 =	vadd.s32 v2, v9  }
0x14b: {  	v9 =	vor.u32 v0, v10;
	[tilespmem:v14+s31+$0x0] =	vst.idx.add.f32.msk $0xffff, v3  }
0x14c: {  	v3 =	vld [tilespmem:s12+$0x0]  }
0x14d: {  	s14 =	smov.u32 s12  }
0x14e: {  	s20 =	smov.u32 s22;
	s22 =	smov.u32 s23;
	s23 =	smov.u32 s7  }
.LBB2_27:
0x14f: {  	_ =	sdelay $0x2  }
0x150: {  	v10 =	vld [tilespmem:s14+$0x1900];
	s12 =	sadd.s32 @p4 $0x40, s19;
	s14 =	smov.u32 s15  }
0x151: {  	v9 =	vld.idx.msk [tilespmem:v9+s1+$0x0], $0xffff;
	s14 =	smov.u32 @p4 s12  }
0x152: {  	v7 =	vshll.u32 v7, $0x4;
	v11 =	vld [tilespmem:s14+$0x0]  }
0x153: {  	v8 =	vshll.u32 v8, $0x4;
	v7 =	vor.u32 v0, v7;
	s12 =	sadd.s32 @p4 $0x40, s18;
	s18 =	smov.u32 s13;
	v12 =	vld [tilespmem:s14+$0xFFFFFFD0]  }
0x154: {  	v5 =	vshll.u32 v5, $0x4;
	v8 =	vor.u32 v0, v8;
	s18 =	smov.u32 @p4 s12;
	v14 =	vld [tilespmem:s14+$0xFFFFFFF0]  }
0x155: {  	v5 =	vor.u32 v0, v5;
	v13 =	vld [tilespmem:s18+$0x0]  }
0x156: {  	v15 =	vld [tilespmem:s18+$0xFFFFFFD0]  }
0x157: {  	v16 =	vld [tilespmem:s18+$0xFFFFFFF0]  }
0x158: {  	v7 =	vld.idx.msk [tilespmem:v7+s1+$0x0], $0xffff  }
0x159: {  	v10 =	vadd.s32 v2, v10;
	v8 =	vld.idx.msk [tilespmem:v8+s1+$0x0], $0xffff  }
0x15a: {  	v5 =	vld.idx.msk [tilespmem:v5+s1+$0x0], $0xffff;
	v11 =	vadd.s32 v2, v11  }
0x15b: {  	v12 =	vadd.s32 v2, v12  }
0x15c: {  	v3 =	vmul.f32 v9, v3;
	v61 =	vadd.s32 v2, v14  }
0x15d: {  	[tilespmem:v6+s31+$0x0] =	vst.idx.add.f32.msk @p4 $0xffff, v4;
	v62 =	vmul.f32 v7, v13  }
0x15e: {  	[tilespmem:v10+s31+$0x0] =	vst.idx.add.f32.msk $0xffff, v3;
	v3 =	vmul.f32 v8, v15  }
0x15f: {  	v63 =	vmul.f32 v5, v16;
	[tilespmem:v11+s31+$0x0] =	vst.idx.add.f32.msk $0xffff, v62  }
0x160: {  	[tilespmem:v12+s31+$0x0] =	vst.idx.add.f32.msk $0xffff, v3  }
0x161: {  	[tilespmem:v61+s31+$0x0] =	vst.idx.add.f32.msk $0xffff, v63  }
.LBB2_17:
.Ltmp15:
0x162: {  	(pc) =	sbr.rel @p2 .LBB2_18-.Ltmp15, $4  }
0x163: {  	_ = 	snop  }
0x164: {  	s12 =	rddreg [dreg:$0x10]  }
0x165: {  	s18 =	rddreg [dreg:$0xf]  }
0x166: {  	s14 =	smov.u32 s21;
	s19 =	rddreg [dreg:$0xe]  }
.LBB2_28:
0x167: {  	v3 =	vld [tilespmem:s12+$0x0];
	_ =	sdelay $0x4  }
0x168: {  	v3 =	vshll.u32 v3, $0x4  }
0x169: {  	v3 =	vor.u32 v0, v3;
	_ =	sdelay $0x1  }
0x16a: {  	v4 =	vld [tilespmem:s18+$0x0];
	_ =	sdelay $0x1  }
0x16b: {  	v5 =	vld [tilespmem:s14+$0x0]  }
0x16c: {  	v3 =	vld.idx.msk [tilespmem:v3+s1+$0x0], $0xffff  }
0x16d: {  	s19 =	sadd.s32 $0x10, s19  }
0x16e: {  	p4 =	slt.s32 s19, $0xC30;
	v4 =	vadd.s32 v2, v4  }
.Ltmp16:
0x16f: {  	_ = 	snop;
	(pc) =	sbr.rel @p4 .LBB2_28-.Ltmp16, $3  }
0x170: {  	_ = 	snop  }
0x171: {  	v3 =	vmul.f32 v3, v5;
	_ =	sdelay $0x1  }
0x172: {  	s18 =	sadd.s32 $0x10, s18;
	s14 =	sadd.s32 $0x10, s14;
	s12 =	sadd.s32 $0x10, s12;
	[tilespmem:v4+s31+$0x0] =	vst.idx.add.f32.msk $0xffff, v3  }
.LBB2_18:
.Ltmp17:
0x173: {  	(pc) =	sbr.rel @p3 .LBB2_35-.Ltmp17, $1  }
0x174: {  	_ =	sdelay $0x3  }
0x175: {  	v3 =	vor.u32 s8, v0;
	s12 =	sadd.s32 $0x201, s8  }
0x176: {  	s19 =	sadd.s32 $0x402, s8;
	v4 =	vadd.s32 s12, v0  }
0x177: {  	s7 =	sadd.s32 $0x603, s8;
	v5 =	vadd.s32 s19, v0  }
0x178: {  	s14 =	sadd.s32 $0x804, s8;
	v6 =	vadd.s32 s7, v0  }
0x179: {  	s18 =	sadd.s32 $0xA05, s8;
	v7 =	vadd.s32 s14, v0  }
0x17a: {  	v8 =	vadd.s32 s18, v0;
	s19 =	sadd.s32 $0xC06, s8;
	v10 =	vld.idx.msk [tilespmem:v3+s31+$0x0], $0xffff  }
0x17b: {  	s7 =	sadd.s32 $0xE07, s8;
	v11 =	vadd.s32 s19, v0;
	v12 =	vld.idx.msk [tilespmem:v4+s31+$0x0], $0xffff  }
0x17c: {  	s14 =	sadd.s32 $0x1008, s8;
	v13 =	vadd.s32 s7, v0;
	v9 =	vld.idx.msk [tilespmem:v5+s31+$0x0], $0xffff  }
0x17d: {  	s18 =	sadd.s32 $0x1209, s8;
	v14 =	vadd.s32 s14, v0;
	v3 =	vld.idx.msk [tilespmem:v6+s31+$0x0], $0xffff  }
0x17e: {  	s12 =	sadd.s32 $0x10, s8;
	v15 =	vadd.s32 s18, v0;
	s19 =	sadd.s32 $0x140A, s8;
	v4 =	vld.idx.msk [tilespmem:v7+s31+$0x0], $0xffff  }
0x17f: {  	p5 =	slt.s32 s12, s6;
	v18 =	vadd.s32 s19, v0;
	v5 =	vld.idx.msk [tilespmem:v8+s31+$0x0], $0xffff  }
.Ltmp18:
0x180: {  	v6 =	vld.idx.msk [tilespmem:v11+s31+$0x0], $0xffff;
	(pc) =	sbr.rel @!p5 .LBB2_20-.Ltmp18, $4  }
0x181: {  	s9 =	sshll.u32 s9, $0x6;
	v7 =	vld.idx.msk [tilespmem:v13+s31+$0x0], $0xffff  }
0x182: {  	s9 =	sshra.s32 s9, $0x2;
	s18 =	sadd.s32 $0x180C, s8;
	s19 =	sadd.s32 $0x1A0D, s8;
	v8 =	vld.idx.msk [tilespmem:v14+s31+$0x0], $0xffff  }
0x183: {  	s14 =	sadd.s32 $0x160B, s8;
	s7 =	sadd.s32 $0x1C0E, s8;
	v16 =	vadd.s32 s18, v0;
	s18 =	sadd.s32 $0x1E0F, s8;
	v17 =	vadd.s32 s19, v0;
	v11 =	vld.idx.msk [tilespmem:v15+s31+$0x0], $0xffff  }
0x184: {  	p3 =	por $0x0, $0x0;
	p4 =	por $0x0, $0x0;
	s9 =	sadd.s32 $0x4E80, s9;
	v14 =	vadd.s32 s14, v0;
	v15 =	vadd.s32 s7, v0;
	v13 =	vld.idx.msk [tilespmem:v18+s31+$0x0], $0xffff;
	v18 =	vadd.s32 s18, v0  }
0x185: {  	_ =	sdelay $0x3  }
0x186: {  	v19 =	vor.u32 s12, v0;
	s8 =	sadd.s32 $0x201, s12;
	v14 =	vld.idx.msk [tilespmem:v14+s31+$0x0], $0xffff  }
0x187: {  	s14 =	sadd.s32 $0x402, s12;
	v16 =	vld.idx.msk [tilespmem:v16+s31+$0x0], $0xffff;
	v21 =	vadd.s32 s8, v0  }
0x188: {  	s18 =	sadd.s32 $0x603, s12;
	v17 =	vld.idx.msk [tilespmem:v17+s31+$0x0], $0xffff;
	v23 =	vadd.s32 s14, v0  }
0x189: {  	s19 =	sadd.s32 $0x804, s12;
	v15 =	vld.idx.msk [tilespmem:v15+s31+$0x0], $0xffff;
	v24 =	vadd.s32 s18, v0  }
0x18a: {  	v18 =	vld.idx.msk [tilespmem:v18+s31+$0x0], $0xffff;
	v25 =	vadd.s32 s19, v0;
	s18 =	sadd.s32 $0xE07, s12  }
0x18b: {  	s19 =	sadd.s32 $0x1008, s12;
	v26 =	vadd.s32 s18, v0;
	v20 =	vld.idx.msk [tilespmem:v19+s31+$0x0], $0xffff  }
0x18c: {  	s7 =	sadd.s32 $0xA05, s12;
	v9 =	vadd.f32 v3, v9;
	v10 =	vadd.f32 v12, v10;
	v63 =	vadd.s32 s19, v0;
	v22 =	vld.idx.msk [tilespmem:v21+s31+$0x0], $0xffff  }
0x18d: {  	v27 =	vadd.f32 v5, v4;
	s14 =	sadd.s32 $0xC06, s12;
	v19 =	vadd.s32 s7, v0;
	v23 =	vld.idx.msk [tilespmem:v23+s31+$0x0], $0xffff  }
0x18e: {  	v7 =	vadd.f32 v7, v6;
	v9 =	vadd.f32 v9, v10;
	s7 =	sadd.s32 $0x1209, s12;
	v21 =	vadd.s32 s14, v0;
	v3 =	vld.idx.msk [tilespmem:v24+s31+$0x0], $0xffff  }
0x18f: {  	s8 =	sadd.s32 $0x10, s12;
	v8 =	vadd.f32 v11, v8;
	v11 =	vadd.f32 v14, v13;
	v4 =	vld.idx.msk [tilespmem:v25+s31+$0x0], $0xffff;
	v12 =	vadd.s32 s7, v0;
	s14 =	sadd.s32 $0x140A, s12  }
0x190: {  	p5 =	slt.s32 s8, s6;
	v10 =	vadd.f32 v7, v27;
	v16 =	vadd.f32 v17, v16;
	v13 =	vadd.s32 s14, v0;
	v7 =	vld.idx.msk [tilespmem:v26+s31+$0x0], $0xffff  }
.Ltmp19:
0x191: {  	v15 =	vadd.f32 v18, v15;
	v18 =	vadd.f32 v11, v8;
	v8 =	vld.idx.msk [tilespmem:v63+s31+$0x0], $0xffff;
	(pc) =	sbr.rel @!p5 .LBB2_30-.Ltmp19, $4  }
0x192: {  	s18 =	sadd.s32 $0x160B, s12;
	v5 =	vld.idx.msk [tilespmem:v19+s31+$0x0], $0xffff  }
0x193: {  	s19 =	sadd.s32 $0x1C0E, s12;
	v14 =	vadd.s32 s18, v0;
	s18 =	sadd.s32 $0x1A0D, s12;
	v6 =	vld.idx.msk [tilespmem:v21+s31+$0x0], $0xffff;
	v21 =	vadd.f32 v15, v16  }
0x194: {  	v17 =	vadd.s32 s18, v0;
	s14 =	sadd.s32 $0x180C, s12;
	v19 =	vadd.f32 v10, v9;
	v15 =	vadd.s32 s19, v0;
	v11 =	vld.idx.msk [tilespmem:v12+s31+$0x0], $0xffff;
	s19 =	sadd.s32 $0x1E0F, s12  }
0x195: {  	p3 =	por $0x1, $0x1;
	v16 =	vadd.s32 s14, v0;
	v13 =	vld.idx.msk [tilespmem:v13+s31+$0x0], $0xffff;
	v21 =	vadd.f32 v21, v18;
	v18 =	vadd.s32 s19, v0  }
0x196: {  	_ =	sdelay $0x3  }
0x197: {  	v9 =	vor.u32 s8, v0;
	s12 =	sadd.s32 $0x201, s8;
	v14 =	vld.idx.msk [tilespmem:v14+s31+$0x0], $0xffff  }
0x198: {  	s14 =	sadd.s32 $0x402, s8;
	v16 =	vld.idx.msk [tilespmem:v16+s31+$0x0], $0xffff;
	v12 =	vadd.s32 s12, v0  }
0x199: {  	s18 =	sadd.s32 $0x603, s8;
	v17 =	vld.idx.msk [tilespmem:v17+s31+$0x0], $0xffff;
	v24 =	vadd.s32 s14, v0  }
0x19a: {  	s19 =	sadd.s32 $0x804, s8;
	v15 =	vld.idx.msk [tilespmem:v15+s31+$0x0], $0xffff;
	v25 =	vadd.s32 s18, v0  }
0x19b: {  	s7 =	sadd.s32 $0xA05, s8;
	v18 =	vld.idx.msk [tilespmem:v18+s31+$0x0], $0xffff;
	v26 =	vadd.s32 s19, v0  }
0x19c: {  	v27 =	vadd.s32 s7, v0;
	s14 =	sadd.s32 $0xC06, s8;
	v10 =	vld.idx.msk [tilespmem:v9+s31+$0x0], $0xffff  }
0x19d: {  	v23 =	vadd.f32 v3, v23;
	s18 =	sadd.s32 $0xE07, s8;
	v28 =	vadd.s32 s14, v0;
	v12 =	vld.idx.msk [tilespmem:v12+s31+$0x0], $0xffff  }
0x19e: {  	v20 =	vadd.f32 v22, v20;
	s19 =	sadd.s32 $0x1008, s8;
	v19 =	vadd.f32 v21, v19;
	v62 =	vadd.s32 s18, v0;
	v9 =	vld.idx.msk [tilespmem:v24+s31+$0x0], $0xffff  }
0x19f: {  	v21 =	vadd.f32 v5, v4;
	s7 =	sadd.s32 $0x1209, s8;
	v63 =	vadd.s32 s19, v0;
	v7 =	vadd.f32 v7, v6;
	v3 =	vld.idx.msk [tilespmem:v25+s31+$0x0], $0xffff  }
0x1a0: {  	s12 =	sadd.s32 $0x10, s8;
	v22 =	vadd.s32 s7, v0;
	s14 =	sadd.s32 $0x140A, s8;
	v8 =	vadd.f32 v11, v8;
	v11 =	vadd.f32 v14, v13;
	v4 =	vld.idx.msk [tilespmem:v26+s31+$0x0], $0xffff  }
0x1a1: {  	s18 =	sadd.s32 $0x160B, s8;
	p5 =	slt.s32 s12, s6;
	v13 =	vadd.s32 s14, v0;
	v16 =	vadd.f32 v17, v16;
	v15 =	vadd.f32 v18, v15;
	v5 =	vld.idx.msk [tilespmem:v27+s31+$0x0], $0xffff  }
.Ltmp20:
0x1a2: {  	s14 =	sadd.s32 $0x180C, s8;
	v18 =	vadd.f32 v23, v20;
	v20 =	vadd.f32 v7, v21;
	v14 =	vadd.s32 s18, v0;
	v6 =	vld.idx.msk [tilespmem:v28+s31+$0x0], $0xffff;
	(pc) =	sbr.rel @!p5 .LBB2_32-.Ltmp20, $4  }
0x1a3: {  	s18 =	sadd.s32 $0x1A0D, s8;
	v7 =	vld.idx.msk [tilespmem:v62+s31+$0x0], $0xffff;
	v21 =	vadd.f32 v11, v8;
	v23 =	vadd.f32 v15, v16;
	v16 =	vadd.s32 s14, v0  }
0x1a4: {  	s19 =	sadd.s32 $0x1C0E, s8;
	v17 =	vadd.s32 s18, v0;
	v8 =	vld.idx.msk [tilespmem:v63+s31+$0x0], $0xffff  }
0x1a5: {  	[tilespmem:s9+$0x0] =	vst v19;
	v15 =	vadd.s32 s19, v0;
	v11 =	vld.idx.msk [tilespmem:v22+s31+$0x0], $0xffff;
	s19 =	sadd.s32 $0x1E0F, s8;
	v19 =	vadd.f32 v20, v18;
	v21 =	vadd.f32 v23, v21  }
0x1a6: {  	p4 =	por $0x1, $0x1;
	s8 =	smov.u32 s9;
	v18 =	vadd.s32 s19, v0;
	v13 =	vld.idx.msk [tilespmem:v13+s31+$0x0], $0xffff  }
.LBB2_33:
0x1a7: {  	v20 =	vor.u32 s12, v0;
	s14 =	sadd.s32 $0x201, s12;
	v14 =	vld.idx.msk [tilespmem:v14+s31+$0x0], $0xffff;
	v19 =	vadd.f32 v21, v19  }
0x1a8: {  	s8 =	sadd.s32 $0x10, s8;
	v21 =	vadd.s32 s14, v0;
	s14 =	sadd.s32 $0x402, s12;
	v16 =	vld.idx.msk [tilespmem:v16+s31+$0x0], $0xffff  }
0x1a9: {  	v22 =	vadd.s32 s14, v0;
	s14 =	sadd.s32 $0x603, s12;
	v17 =	vld.idx.msk [tilespmem:v17+s31+$0x0], $0xffff;
	[tilespmem:s8+$0x0] =	vst v19  }
0x1aa: {  	v19 =	vadd.s32 s14, v0;
	s14 =	sadd.s32 $0x804, s12;
	v15 =	vld.idx.msk [tilespmem:v15+s31+$0x0], $0xffff  }
0x1ab: {  	v23 =	vadd.s32 s14, v0;
	s14 =	sadd.s32 $0xA05, s12;
	v18 =	vld.idx.msk [tilespmem:v18+s31+$0x0], $0xffff  }
0x1ac: {  	v20 =	vld.idx.msk [tilespmem:v20+s31+$0x0], $0xffff;
	v24 =	vadd.s32 s14, v0;
	s14 =	sadd.s32 $0xC06, s12  }
0x1ad: {  	v21 =	vld.idx.msk [tilespmem:v21+s31+$0x0], $0xffff;
	v25 =	vadd.s32 s14, v0;
	s14 =	sadd.s32 $0xE07, s12  }
0x1ae: {  	v10 =	vadd.f32 v12, v10;
	v12 =	vadd.f32 v3, v9;
	v26 =	vadd.s32 s14, v0;
	s14 =	sadd.s32 $0x1008, s12;
	v9 =	vld.idx.msk [tilespmem:v22+s31+$0x0], $0xffff  }
0x1af: {  	v7 =	vadd.f32 v7, v6;
	v22 =	vadd.f32 v5, v4;
	v3 =	vld.idx.msk [tilespmem:v19+s31+$0x0], $0xffff;
	v19 =	vadd.s32 s14, v0;
	s14 =	sadd.s32 $0x1209, s12  }
0x1b0: {  	v4 =	vld.idx.msk [tilespmem:v23+s31+$0x0], $0xffff;
	v23 =	vadd.s32 s14, v0;
	s14 =	sadd.s32 $0x140A, s12  }
0x1b1: {  	v8 =	vadd.f32 v11, v8;
	v11 =	vadd.f32 v14, v13;
	v13 =	vadd.s32 s14, v0;
	s14 =	sadd.s32 $0x160B, s12  }
0x1b2: {  	v17 =	vadd.f32 v17, v16;
	v15 =	vadd.f32 v18, v15;
	v14 =	vadd.s32 s14, v0;
	s14 =	sadd.s32 $0x180C, s12  }
0x1b3: {  	v16 =	vadd.s32 s14, v0;
	s14 =	sadd.s32 $0x1A0D, s12  }
0x1b4: {  	v5 =	vld.idx.msk [tilespmem:v24+s31+$0x0], $0xffff;
	v24 =	vadd.f32 v15, v17;
	v17 =	vadd.s32 s14, v0;
	s14 =	sadd.s32 $0x1C0E, s12  }
0x1b5: {  	v15 =	vadd.s32 s14, v0;
	s14 =	sadd.s32 $0x1E0F, s12;
	s12 =	sadd.s32 $0x10, s12  }
0x1b6: {  	p5 =	slt.s32 s12, s6  }
.Ltmp21:
0x1b7: {  	v18 =	vadd.f32 v12, v10;
	v22 =	vadd.f32 v7, v22;
	v10 =	vmov v20;
	v6 =	vld.idx.msk [tilespmem:v25+s31+$0x0], $0xffff;
	(pc) =	sbr.rel @p5 .LBB2_33-.Ltmp21, $4  }
0x1b8: {  	v20 =	vadd.f32 v11, v8;
	v12 =	vmov v21;
	v7 =	vld.idx.msk [tilespmem:v26+s31+$0x0], $0xffff  }
0x1b9: {  	v8 =	vld.idx.msk [tilespmem:v19+s31+$0x0], $0xffff  }
0x1ba: {  	v19 =	vadd.f32 v22, v18;
	v21 =	vadd.f32 v24, v20;
	v11 =	vld.idx.msk [tilespmem:v23+s31+$0x0], $0xffff  }
0x1bb: {  	v13 =	vld.idx.msk [tilespmem:v13+s31+$0x0], $0xffff;
	v18 =	vadd.s32 s14, v0  }
.Ltmp22:
0x1bc: {  	_ = 	snop;
	(pc) =	sbr.rel .LBB2_34-.Ltmp22, $1  }
0x1bd: {  	_ =	sdelay $0x3  }
.LBB2_8:
.Ltmp23:
0x1be: {  	(pc) =	sbr.rel .LBB2_15-.Ltmp23, $2  }
0x1bf: {  	_ =	sdelay $0x2  }
0x1c0: {  	s14 =	smov.u32 s16;
	s12 =	smov.u32 s11  }
.LBB2_22:
.Ltmp24:
0x1c1: {  	(pc) =	sbr.rel .LBB2_27-.Ltmp24, $2  }
0x1c2: {  	_ =	sdelay $0x2  }
0x1c3: {  	s19 =	smov.u32 s15;
	s18 =	smov.u32 s13  }
.LBB2_13:
.Ltmp25:
0x1c4: {  	(pc) =	sbr.rel .LBB2_15-.Ltmp25, $2  }
0x1c5: {  	_ =	sdelay $0x2  }
0x1c6: {  	s14 =	smov.u32 s16;
	s12 =	smov.u32 s11  }
.LBB2_24:
.Ltmp26:
0x1c7: {  	(pc) =	sbr.rel .LBB2_27-.Ltmp26, $3  }
0x1c8: {  	_ =	sdelay $0x1  }
0x1c9: {  	s14 =	smov.u32 s12;
	s19 =	smov.u32 s15;
	s18 =	smov.u32 s13  }
0x1ca: {  	s20 =	smov.u32 s22;
	s22 =	smov.u32 s23;
	s23 =	smov.u32 s7  }
.LBB2_30:
.Ltmp27:
0x1cb: {  	(pc) =	sbr.rel .LBB2_34-.Ltmp27, $2  }
0x1cc: {  	_ =	sdelay $0x2  }
0x1cd: {  	s8 =	smov.u32 s9;
	v10 =	vmov v20;
	v12 =	vmov v22;
	v9 =	vmov v23  }
.LBB2_32:
.Ltmp28:
0x1ce: {  	(pc) =	sbr.rel .LBB2_34-.Ltmp28, $2  }
0x1cf: {  	_ =	sdelay $0x2  }
0x1d0: {  	s8 =	smov.u32 s9  }
.LBB2_36:
0x1d1: {  	_ =	sfence.sel $0x180000  }
0x1d2: {  	[bflag:$0x0] =	sbarrier.arrive $0xFFFF  }
0x1d3: {  	_ =	strace $0x90000047  }
0x1d4: {  	s0 =	stileid.u32;
	[bflag:$0x2] =	sbarrier.arrive $0xFFFF  }
0x1d5: {  	p0 =	sne.s32 s0, $0x0;
	s0 =	rddreg [dreg:$0x6]  }
0x1d6: {  	s0 =	sadd.s32 @!p0 $0x100000, s0  }
0x1d7: {  	[sflag:s0] =	ssyncadd.tile.s32 @!p0 $0x1;
	_ =	shalt  }
.Lfunc_end2:
_tile_overlayer_lowered:
.L_overlay_start_2:
0x1d8: {  	(tag) =	ssettag $0x2  }
0x1d9: {  	s0 =	rddreg [dreg:$0x0];
	s2 =	stileid.u32  }
0x1da: {  	s1 =	rddreg [dreg:$0x1];
	p0 =	sne.s32 s2, $0x0  }
0x1db: {  	s3 =	rddreg [dreg:$0x2];
	[bflag:$0x3] =	sbarrier.arrive $0xFFFF;
	s2 =	simm.s32 @!p0 $0x1C06  }
0x1dc: {  	[timem:s3], [sflag:s2] =	dma.local @!p0 [hbm:s0], s1  }
0x1dd: {  	s0 =	simm.s32 @!p0 $0x6  }
0x1de: {  	_ =	swait.ge @!p0 [sflag:s0], s1  }
0x1df: {  	s1 =	ssub.s32 @!p0 $0x0, s1;
	[sflag:s0] =	ssyncset.done @!p0 $0x0  }
0x1e0: {  	[sflag:s0] =	ssyncadd.s32 @!p0 s1  }
0x1e1: {  	[bflag:$0x3] =	sbarrier.arrive $0xFFFF  }
0x1e2: {  	_ =	shalt  }

</sc_bundles>
